<compile_context>
chip_gen: v7x
topology: tpu7x:2x2x1
jax: 0.10.2.dev20260603
libtpu: 0.0.44.dev20260713+nightly
codegen_flags: <defaults>
</compile_context>

<pallas_src>
import functools

import jax
import jax.numpy as jnp
from jax import lax
from jax.experimental import pallas as pl
from jax.experimental.pallas import tpu as pltpu
from jax.experimental.pallas import tpu_sc as plsc

N = 10000
F = 128
NC = 2
NS = 16
NW = NC * NS
CH = 128
NCHUNK = 80
EPW = NCHUNK * CH
EPAD = NW * EPW
NROWS = NW * NCHUNK
DCH = 128
DUMP = N
NPAD = 10240
RPT = NPAD // NS
BR = 1000

_sc_mesh = plsc.VectorSubcoreMesh(
    core_axis_name="c", subcore_axis_name="s", num_cores=NC, num_subcores=NS)


@functools.partial(
    pl.kernel,
    out_type=jax.ShapeDtypeStruct((NPAD * F,), jnp.float32),
    mesh=_sc_mesh,
    scratch_types=[
        pltpu.VMEM((2 * EPW,), jnp.int32),
        pltpu.VMEM((NPAD,), jnp.float32),
        pltpu.VMEM((RPT,), jnp.float32),
        pltpu.VMEM((RPT,), jnp.float32),
        pltpu.VMEM((RPT,), jnp.float32),
        pltpu.VMEM((DCH * F,), jnp.float32),
        pltpu.VMEM_SHARED((NS, NPAD), jnp.float32),
    ],
    compiler_params=pltpu.CompilerParams(needs_layout_passes=False),
)
def _deg_sc(dst_hbm, out_hbm, didx_v, hist_v, acc_v, tmp_v, dis_v, rowb_v, sh):
    cid = lax.axis_index("c")
    sid = lax.axis_index("s")
    one16 = jnp.ones((16,), jnp.float32)
    zero16 = jnp.zeros((16,), jnp.float32)

    @pl.when(cid == 0)
    def _():
        pltpu.sync_copy(dst_hbm.at[pl.ds(sid * 2 * EPW, 2 * EPW)], didx_v)

        def _zh(k, carry):
            hist_v[pl.ds(k * 16, 16)] = zero16
            return carry
        lax.fori_loop(0, NPAD // 16, _zh, 0)

        def _hist(k, carry):
            idx16 = didx_v[pl.ds(k * 16, 16)]
            plsc.addupdate_scatter(hist_v, [idx16], one16)
            return carry
        lax.fori_loop(0, 2 * EPW // 16, _hist, 0)

        pltpu.sync_copy(hist_v, sh.at[sid])
        plsc.subcore_barrier()

        pltpu.sync_copy(sh.at[0, pl.ds(sid * RPT, RPT)], acc_v)
        for t in range(1, NS):
            pltpu.sync_copy(sh.at[t, pl.ds(sid * RPT, RPT)], tmp_v)

            def _add(k, carry):
                sl = pl.ds(k * 16, 16)
                acc_v[sl] = acc_v[sl] + tmp_v[sl]
                return carry
            lax.fori_loop(0, RPT // 16, _add, 0)

        def _rsq(k, carry):
            sl = pl.ds(k * 16, 16)
            d = acc_v[sl] + 1.0
            i = plsc.bitcast(d, jnp.int32)
            i = jnp.int32(0x5F3759DF) - lax.shift_right_logical(i, 1)
            y = plsc.bitcast(i, jnp.float32)
            y = y * (1.5 - 0.5 * d * y * y)
            y = y * (1.5 - 0.5 * d * y * y)
            y = y * (1.5 - 0.5 * d * y * y)
            dis_v[sl] = y
            return carry
        lax.fori_loop(0, RPT // 16, _rsq, 0)

        def _chunk(c, carry):
            def _row(r, carry2):
                v16 = plsc.load_gather(
                    dis_v, [jnp.full((16,), c * DCH + r, jnp.int32)])
                for j in range(F // 16):
                    rowb_v[pl.ds(r * F + j * 16, 16)] = v16
                return carry2
            lax.fori_loop(0, DCH, _row, 0)
            pltpu.sync_copy(
                rowb_v,
                out_hbm.at[pl.ds((sid * RPT + c * DCH) * F, DCH * F)])
            return carry
        lax.fori_loop(0, RPT // DCH, _chunk, 0)


@functools.partial(
    pl.kernel,
    out_type=jax.ShapeDtypeStruct((NC, NPAD, F), jnp.float32),
    mesh=_sc_mesh,
    scratch_types=[
        pltpu.VMEM((NCHUNK, CH), jnp.int32),
        pltpu.VMEM((NCHUNK, CH), jnp.int32),
        pltpu.VMEM((CH, F), jnp.float32),
        pltpu.VMEM_SHARED((NPAD, F), jnp.float32),
        pltpu.SemaphoreType.DMA,
    ],
)
def _edge_sc(src_hbm, dst_hbm, hs_hbm, out_hbm,
             sidx_v, didx_v, rows_v, acc_sh, sem):
    cid = lax.axis_index("c")
    sid = lax.axis_index("s")
    zero16 = jnp.zeros((16,), jnp.float32)

    def _zrow(i, carry):
        for j in range(F // 16):
            rows_v[i, pl.ds(j * 16, 16)] = zero16
        return carry
    lax.fori_loop(0, CH, _zrow, 0)

    def _zacc(t, carry):
        pltpu.sync_copy(rows_v, acc_sh.at[pl.ds(sid * RPT + t * CH, CH)])
        return carry
    lax.fori_loop(0, RPT // CH, _zacc, 0)

    choff = (cid * NS + sid) * NCHUNK
    pltpu.sync_copy(src_hbm.at[pl.ds(choff, NCHUNK)], sidx_v)
    pltpu.sync_copy(dst_hbm.at[pl.ds(choff, NCHUNK)], didx_v)
    plsc.subcore_barrier()

    def _go(g, carry):
        pltpu.async_copy(hs_hbm.at[sidx_v.at[g]], rows_v, sem).wait()
        pltpu.sync_copy(rows_v, acc_sh.at[didx_v.at[g]], add=True)
        return carry
    lax.fori_loop(0, NCHUNK, _go, 0)
    plsc.subcore_barrier()
    pltpu.sync_copy(acc_sh.at[pl.ds(sid * RPT, RPT)],
                    out_hbm.at[cid, pl.ds(sid * RPT, RPT)])


def _prep_body(x_ref, w_ref, b_ref, dis_ref, hs_ref, base_ref):
    dis = dis_ref[...]
    h = jnp.dot(x_ref[...], w_ref[...],
                preferred_element_type=jnp.float32)
    hs = h * dis
    hs_ref[...] = hs
    base_ref[...] = hs * dis + b_ref[...]


_prep = pl.pallas_call(
    _prep_body,
    grid=(N // BR,),
    in_specs=[
        pl.BlockSpec((BR, F), lambda i: (i, 0)),
        pl.BlockSpec((F, F), lambda i: (0, 0)),
        pl.BlockSpec((1, F), lambda i: (0, 0)),
        pl.BlockSpec((BR, F), lambda i: (i, 0)),
    ],
    out_specs=[pl.BlockSpec((BR, F), lambda i: (i, 0)),
               pl.BlockSpec((BR, F), lambda i: (i, 0))],
    out_shape=[jax.ShapeDtypeStruct((N, F), jnp.float32),
               jax.ShapeDtypeStruct((N, F), jnp.float32)],
)


def _comb_body(part_ref, dis_ref, base_ref, out_ref):
    out_ref[...] = ((part_ref[0] + part_ref[1]) * dis_ref[...]
                    + base_ref[...])


_comb = pl.pallas_call(
    _comb_body,
    grid=(N // BR,),
    in_specs=[
        pl.BlockSpec((NC, BR, F), lambda i: (0, i, 0)),
        pl.BlockSpec((BR, F), lambda i: (i, 0)),
        pl.BlockSpec((BR, F), lambda i: (i, 0)),
    ],
    out_specs=pl.BlockSpec((BR, F), lambda i: (i, 0)),
    out_shape=jax.ShapeDtypeStruct((N, F), jnp.float32),
)


def kernel(x, edge_index, W, b):
    src = edge_index[0].astype(jnp.int32)
    dst = edge_index[1].astype(jnp.int32)
    pad = NROWS * CH - src.shape[0]
    src2 = jnp.concatenate(
        [src, jnp.arange(pad, dtype=jnp.int32) % N]).reshape(NROWS, CH)
    dump = DUMP + jnp.arange(pad, dtype=jnp.int32) % (NPAD - DUMP)
    dst_pad = jnp.concatenate([dst, dump])
    dst2 = dst_pad.reshape(NROWS, CH)
    dis = _deg_sc(dst_pad).reshape(NPAD, F)
    hs, base = _prep(x, W, b.reshape(1, F), dis)
    part = _edge_sc(src2, dst2, hs)
    return _comb(part, dis, base)

# --- scband reference (transcript-rebuilt; emitter-appended) ---
"""Pipeline reference for scband-sentence-gnn-83219286327432 (READ-ONLY COPY).

The authoritative reference and input builder live on the scoring server;
editing this copy changes nothing except your own understanding.
"""

import jax, jax.numpy as jnp
import numpy as np

N_NODES = 10000
N_EDGES = 320000
N_FEATURES = 128
N_HIDDEN = 128


def setup_inputs(seed: int = 0) -> dict:
    key = jax.random.key(seed)
    k1, k2, k3, k4 = jax.random.split(key, 4)
    x = jax.random.normal(k1, (N_NODES, N_FEATURES), dtype=jnp.float32)
    edge_index = jax.random.randint(k2, (2, N_EDGES), 0, N_NODES, dtype=jnp.int64)
    # GCNConv linear weight (glorot) and zero bias, matching PyG defaults
    limit = float(np.sqrt(6.0 / (N_FEATURES + N_HIDDEN)))
    W = jax.random.uniform(k3, (N_FEATURES, N_HIDDEN), dtype=jnp.float32, minval=-limit, maxval=limit)
    b = jnp.zeros((N_HIDDEN,), dtype=jnp.float32)
    return {"x": x, "edge_index": edge_index, "W": W, "b": b}


def reference(x, edge_index, W, b):
    # Faithful PyG GCNConv: add self-loops, symmetric normalization,
    # h = x @ W; out = D^{-1/2} (A+I) D^{-1/2} h + b
    N = x.shape[0]
    src = edge_index[0]
    dst = edge_index[1]
    loop = jnp.arange(N, dtype=src.dtype)
    src = jnp.concatenate([src, loop])
    dst = jnp.concatenate([dst, loop])
    deg = jnp.zeros((N,), dtype=x.dtype).at[dst].add(1.0)
    deg_inv_sqrt = jnp.where(deg > 0, 1.0 / jnp.sqrt(deg), 0.0)
    norm = deg_inv_sqrt[src] * deg_inv_sqrt[dst]
    h = x @ W
    msg = h[src] * norm[:, None]
    out = jnp.zeros((N, W.shape[1]), dtype=x.dtype).at[dst].add(msg)
    return out + b

if __name__ == "__main__":
    import jax
    _d = setup_inputs()
    print(jax.jit(kernel)(*tuple(_d.values())))

</pallas_src>

<mosaic_0001>
#map = affine_map<(d0, d1) -> (0)>
module attributes {stable_mosaic.version = 14 : i64} {
  func.func @_deg_sc(%arg0: i32, %arg1: i32, %arg2: memref<327680xi32, #tpu.memory_space<hbm>>, %arg3: memref<1310720xf32, #tpu.memory_space<hbm>>, %arg4: memref<20480xi32, #tpu.memory_space<vmem>>, %arg5: memref<10240xf32, #tpu.memory_space<vmem>>, %arg6: memref<640xf32, #tpu.memory_space<vmem>>, %arg7: memref<640xf32, #tpu.memory_space<vmem>>, %arg8: memref<640xf32, #tpu.memory_space<vmem>>, %arg9: memref<16384xf32, #tpu.memory_space<vmem>>, %arg10: memref<16x10240xf32, #tpu.memory_space<vmem_shared>>) attributes {dimension_semantics = [#tpu.dimension_semantics<core_parallel>, #tpu.dimension_semantics<subcore_parallel>], iteration_bounds = array<i64: 2, 16>, scalar_prefetch = 0 : i64, scratch_operands = 7 : i64, tpu.core_type = #tpu.core_type<sc_vector_subcore>, window_params = [{transform_indices = #map}, {transform_indices = #map}]} {
    %broadcast_in_dim3A = arith.constant 1.000000e+00 : f32
    %broadcast_in_dim3A_0 = vector.broadcast %broadcast_in_dim3A : f32 to vector<16xf32>
    %broadcast_in_dim3A_1 = arith.constant 0.000000e+00 : f32
    %broadcast_in_dim3A_2 = vector.broadcast %broadcast_in_dim3A_1 : f32 to vector<16xf32>
    %eq3A = arith.constant 0 : i32
    %eq3A_3 = arith.cmpi eq, %arg0, %eq3A : i32
    %convert_element_type3A = arith.extui %eq3A_3 : i1 to i32
    %cond3A = arith.constant 0 : i32
    %cond3A_4 = arith.cmpi ne, %convert_element_type3A, %cond3A : i32
    scf.if %cond3A_4 {
      %mul3A = arith.constant 2 : i32
      %mul3A_5 = arith.muli %arg1, %mul3A : i32
      %mul3A_6 = arith.constant 10240 : i32
      %mul3A_7 = arith.muli %mul3A_5, %mul3A_6 : i32
      "tpu.region"() ({
        %run_scoped3A_168 = tpu.sem_alloc : memref<!tpu.dma_semaphore, #tpu.memory_space<semaphore_mem>>
        %dma_start3A = tpu.memref_slice %arg2[%mul3A_7] : memref<327680xi32, #tpu.memory_space<hbm>> -> memref<20480xi32, #tpu.memory_space<hbm>>
        %dma_start3A_169 = tpu.memref_slice %arg2[%mul3A_7] : memref<327680xi32, #tpu.memory_space<hbm>> -> memref<20480xi32, #tpu.memory_space<hbm>>
        tpu.enqueue_dma source(%dma_start3A_169 : memref<20480xi32, #tpu.memory_space<hbm>>) target(%arg4 : memref<20480xi32, #tpu.memory_space<vmem>>) target_semaphore(%run_scoped3A_168 : memref<!tpu.dma_semaphore, #tpu.memory_space<semaphore_mem>>)
        %dma_wait3A = tpu.memref_slice %arg2[%mul3A_7] : memref<327680xi32, #tpu.memory_space<hbm>> -> memref<20480xi32, #tpu.memory_space<hbm>>
        %dma_wait3A_170 = tpu.memref_slice %arg2[%mul3A_7] : memref<327680xi32, #tpu.memory_space<hbm>> -> memref<20480xi32, #tpu.memory_space<hbm>>
        tpu.wait_dma2 semaphore(%run_scoped3A_168 : memref<!tpu.dma_semaphore, #tpu.memory_space<semaphore_mem>>) src(%dma_wait3A_170 : memref<20480xi32, #tpu.memory_space<hbm>>) dst(%arg4 : memref<20480xi32, #tpu.memory_space<vmem>>)
        tpu.yield
      }) : () -> ()
      %scan3A = arith.constant 0 : i32
      %scan3A_8 = arith.constant 0 : i32
      %scan3A_9 = arith.constant 640 : i32
      %scan3A_10 = arith.addi %scan3A_8, %scan3A_9 : i32
      %scan3A_11 = arith.constant 1 : i32
      scf.for %scan3A_168 = %scan3A_8 to %scan3A_10 step %scan3A_11  : i32 {
        %mul3A_169 = arith.constant 16 : i32
        %mul3A_170 = arith.muli %scan3A_168, %mul3A_169 : i32
        %swap3A = arith.index_cast %mul3A_170 : i32 to index
        %swap3A_171 = tpu.vector_load %arg5[%swap3A] {strides = array<i32>} : memref<10240xf32, #tpu.memory_space<vmem>>, vector<16xf32>,
        tpu.vector_store %arg5[%swap3A], %broadcast_in_dim3A_2 {strides = array<i32>} : memref<10240xf32, #tpu.memory_space<vmem>>, vector<16xf32>,
      }
      %scan3A_12 = arith.constant 640 : i32
      %scan3A_13 = arith.constant 0 : i32
      %scan3A_14 = arith.constant 0 : i32
      %scan3A_15 = arith.constant 1280 : i32
      %scan3A_16 = arith.addi %scan3A_14, %scan3A_15 : i32
      %scan3A_17 = arith.constant 1 : i32
      scf.for %scan3A_168 = %scan3A_14 to %scan3A_16 step %scan3A_17  : i32 {
        %mul3A_169 = arith.constant 16 : i32
        %mul3A_170 = arith.muli %scan3A_168, %mul3A_169 : i32
        %get3A = arith.index_cast %mul3A_170 : i32 to index
        %get3A_171 = tpu.vector_load %arg4[%get3A] {strides = array<i32>} : memref<20480xi32, #tpu.memory_space<vmem>>, vector<16xi32>,
        tpu.vector_store_idx %arg5[%get3A_171], %broadcast_in_dim3A_0 {add = true} : memref<10240xf32, #tpu.memory_space<vmem>>[vector<16xi32>], vector<16xf32>,
      }
      %scan3A_18 = arith.constant 1280 : i32
      "tpu.region"() ({
        %run_scoped3A_168 = tpu.sem_alloc : memref<!tpu.dma_semaphore, #tpu.memory_space<semaphore_mem>>
        %dma_start3A = arith.constant 0 : i32
        %dma_start3A_169 = tpu.memref_slice %arg10[%arg1, %dma_start3A] : memref<16x10240xf32, #tpu.memory_space<vmem_shared>> -> memref<1x10240xf32, #tpu.memory_space<vmem_shared>>
        %dma_start3A_170 = tpu.memref_squeeze %dma_start3A_169 : memref<1x10240xf32, #tpu.memory_space<vmem_shared>> -> memref<10240xf32, #tpu.memory_space<vmem_shared>>
        %dma_start3A_171 = arith.constant 0 : i32
        %dma_start3A_172 = tpu.memref_slice %arg10[%arg1, %dma_start3A_171] : memref<16x10240xf32, #tpu.memory_space<vmem_shared>> -> memref<1x10240xf32, #tpu.memory_space<vmem_shared>>
        %dma_start3A_173 = tpu.memref_squeeze %dma_start3A_172 : memref<1x10240xf32, #tpu.memory_space<vmem_shared>> -> memref<10240xf32, #tpu.memory_space<vmem_shared>>
        tpu.enqueue_dma source(%arg5 : memref<10240xf32, #tpu.memory_space<vmem>>) target(%dma_start3A_173 : memref<10240xf32, #tpu.memory_space<vmem_shared>>) target_semaphore(%run_scoped3A_168 : memref<!tpu.dma_semaphore, #tpu.memory_space<semaphore_mem>>)
        %dma_wait3A = arith.constant 0 : i32
        %dma_wait3A_174 = tpu.memref_slice %arg10[%arg1, %dma_wait3A] : memref<16x10240xf32, #tpu.memory_space<vmem_shared>> -> memref<1x10240xf32, #tpu.memory_space<vmem_shared>>
        %dma_wait3A_175 = tpu.memref_squeeze %dma_wait3A_174 : memref<1x10240xf32, #tpu.memory_space<vmem_shared>> -> memref<10240xf32, #tpu.memory_space<vmem_shared>>
        %dma_wait3A_176 = arith.constant 0 : i32
        %dma_wait3A_177 = tpu.memref_slice %arg10[%arg1, %dma_wait3A_176] : memref<16x10240xf32, #tpu.memory_space<vmem_shared>> -> memref<1x10240xf32, #tpu.memory_space<vmem_shared>>
        %dma_wait3A_178 = tpu.memref_squeeze %dma_wait3A_177 : memref<1x10240xf32, #tpu.memory_space<vmem_shared>> -> memref<10240xf32, #tpu.memory_space<vmem_shared>>
        tpu.wait_dma2 semaphore(%run_scoped3A_168 : memref<!tpu.dma_semaphore, #tpu.memory_space<semaphore_mem>>) src(%arg5 : memref<10240xf32, #tpu.memory_space<vmem>>) dst(%dma_wait3A_178 : memref<10240xf32, #tpu.memory_space<vmem_shared>>)
        tpu.yield
      }) : () -> ()
      %barrier3A = arith.constant 0 : index
      tpu.barrier barrier_id(%barrier3A)
      %mul3A_19 = arith.constant 640 : i32
      %mul3A_20 = arith.muli %arg1, %mul3A_19 : i32
      %run_scoped3A = arith.constant 0 : i32
      "tpu.region"() ({
        %run_scoped3A_168 = tpu.sem_alloc : memref<!tpu.dma_semaphore, #tpu.memory_space<semaphore_mem>>
        %dma_start3A = tpu.memref_slice %arg10[%run_scoped3A, %mul3A_20] : memref<16x10240xf32, #tpu.memory_space<vmem_shared>> -> memref<1x640xf32, #tpu.memory_space<vmem_shared>>
        %dma_start3A_169 = tpu.memref_squeeze %dma_start3A : memref<1x640xf32, #tpu.memory_space<vmem_shared>> -> memref<640xf32, #tpu.memory_space<vmem_shared>>
        %dma_start3A_170 = tpu.memref_slice %arg10[%run_scoped3A, %mul3A_20] : memref<16x10240xf32, #tpu.memory_space<vmem_shared>> -> memref<1x640xf32, #tpu.memory_space<vmem_shared>>
        %dma_start3A_171 = tpu.memref_squeeze %dma_start3A_170 : memref<1x640xf32, #tpu.memory_space<vmem_shared>> -> memref<640xf32, #tpu.memory_space<vmem_shared>>
        tpu.enqueue_dma source(%dma_start3A_171 : memref<640xf32, #tpu.memory_space<vmem_shared>>) target(%arg6 : memref<640xf32, #tpu.memory_space<vmem>>) target_semaphore(%run_scoped3A_168 : memref<!tpu.dma_semaphore, #tpu.memory_space<semaphore_mem>>)
        %dma_wait3A = tpu.memref_slice %arg10[%run_scoped3A, %mul3A_20] : memref<16x10240xf32, #tpu.memory_space<vmem_shared>> -> memref<1x640xf32, #tpu.memory_space<vmem_shared>>
        %dma_wait3A_172 = tpu.memref_squeeze %dma_wait3A : memref<1x640xf32, #tpu.memory_space<vmem_shared>> -> memref<640xf32, #tpu.memory_space<vmem_shared>>
        %dma_wait3A_173 = tpu.memref_slice %arg10[%run_scoped3A, %mul3A_20] : memref<16x10240xf32, #tpu.memory_space<vmem_shared>> -> memref<1x640xf32, #tpu.memory_space<vmem_shared>>
        %dma_wait3A_174 = tpu.memref_squeeze %dma_wait3A_173 : memref<1x640xf32, #tpu.memory_space<vmem_shared>> -> memref<640xf32, #tpu.memory_space<vmem_shared>>
        tpu.wait_dma2 semaphore(%run_scoped3A_168 : memref<!tpu.dma_semaphore, #tpu.memory_space<semaphore_mem>>) src(%dma_wait3A_174 : memref<640xf32, #tpu.memory_space<vmem_shared>>) dst(%arg6 : memref<640xf32, #tpu.memory_space<vmem>>)
        tpu.yield
      }) : () -> ()
      %mul3A_21 = arith.constant 640 : i32
      %mul3A_22 = arith.muli %arg1, %mul3A_21 : i32
      %run_scoped3A_23 = arith.constant 1 : i32
      "tpu.region"() ({
        %run_scoped3A_168 = tpu.sem_alloc : memref<!tpu.dma_semaphore, #tpu.memory_space<semaphore_mem>>
        %dma_start3A = tpu.memref_slice %arg10[%run_scoped3A_23, %mul3A_22] : memref<16x10240xf32, #tpu.memory_space<vmem_shared>> -> memref<1x640xf32, #tpu.memory_space<vmem_shared>>
        %dma_start3A_169 = tpu.memref_squeeze %dma_start3A : memref<1x640xf32, #tpu.memory_space<vmem_shared>> -> memref<640xf32, #tpu.memory_space<vmem_shared>>
        %dma_start3A_170 = tpu.memref_slice %arg10[%run_scoped3A_23, %mul3A_22] : memref<16x10240xf32, #tpu.memory_space<vmem_shared>> -> memref<1x640xf32, #tpu.memory_space<vmem_shared>>
        %dma_start3A_171 = tpu.memref_squeeze %dma_start3A_170 : memref<1x640xf32, #tpu.memory_space<vmem_shared>> -> memref<640xf32, #tpu.memory_space<vmem_shared>>
        tpu.enqueue_dma source(%dma_start3A_171 : memref<640xf32, #tpu.memory_space<vmem_shared>>) target(%arg7 : memref<640xf32, #tpu.memory_space<vmem>>) target_semaphore(%run_scoped3A_168 : memref<!tpu.dma_semaphore, #tpu.memory_space<semaphore_mem>>)
        %dma_wait3A = tpu.memref_slice %arg10[%run_scoped3A_23, %mul3A_22] : memref<16x10240xf32, #tpu.memory_space<vmem_shared>> -> memref<1x640xf32, #tpu.memory_space<vmem_shared>>
        %dma_wait3A_172 = tpu.memref_squeeze %dma_wait3A : memref<1x640xf32, #tpu.memory_space<vmem_shared>> -> memref<640xf32, #tpu.memory_space<vmem_shared>>
        %dma_wait3A_173 = tpu.memref_slice %arg10[%run_scoped3A_23, %mul3A_22] : memref<16x10240xf32, #tpu.memory_space<vmem_shared>> -> memref<1x640xf32, #tpu.memory_space<vmem_shared>>
        %dma_wait3A_174 = tpu.memref_squeeze %dma_wait3A_173 : memref<1x640xf32, #tpu.memory_space<vmem_shared>> -> memref<640xf32, #tpu.memory_space<vmem_shared>>
        tpu.wait_dma2 semaphore(%run_scoped3A_168 : memref<!tpu.dma_semaphore, #tpu.memory_space<semaphore_mem>>) src(%dma_wait3A_174 : memref<640xf32, #tpu.memory_space<vmem_shared>>) dst(%arg7 : memref<640xf32, #tpu.memory_space<vmem>>)
        tpu.yield
      }) : () -> ()
      %scan3A_24 = arith.constant 0 : i32
      %scan3A_25 = arith.constant 0 : i32
      %scan3A_26 = arith.constant 40 : i32
      %scan3A_27 = arith.addi %scan3A_25, %scan3A_26 : i32
      %scan3A_28 = arith.constant 1 : i32
      scf.for %scan3A_168 = %scan3A_25 to %scan3A_27 step %scan3A_28  : i32 {
        %mul3A_169 = arith.constant 16 : i32
        %mul3A_170 = arith.muli %scan3A_168, %mul3A_169 : i32
        %get3A = arith.index_cast %mul3A_170 : i32 to index
        %get3A_171 = tpu.vector_load %arg6[%get3A] {strides = array<i32>} : memref<640xf32, #tpu.memory_space<vmem>>, vector<16xf32>,
        %get3A_172 = arith.index_cast %mul3A_170 : i32 to index
        %get3A_173 = tpu.vector_load %arg7[%get3A_172] {strides = array<i32>} : memref<640xf32, #tpu.memory_space<vmem>>, vector<16xf32>,
        %add3A = arith.addf %get3A_171, %get3A_173 : vector<16xf32>
        %swap3A = arith.index_cast %mul3A_170 : i32 to index
        %swap3A_174 = tpu.vector_load %arg6[%swap3A] {strides = array<i32>} : memref<640xf32, #tpu.memory_space<vmem>>, vector<16xf32>,
        tpu.vector_store %arg6[%swap3A], %add3A {strides = array<i32>} : memref<640xf32, #tpu.memory_space<vmem>>, vector<16xf32>,
      }
      %scan3A_29 = arith.constant 40 : i32
      %mul3A_30 = arith.constant 640 : i32
      %mul3A_31 = arith.muli %arg1, %mul3A_30 : i32
      %run_scoped3A_32 = arith.constant 2 : i32
      "tpu.region"() ({
        %run_scoped3A_168 = tpu.sem_alloc : memref<!tpu.dma_semaphore, #tpu.memory_space<semaphore_mem>>
        %dma_start3A = tpu.memref_slice %arg10[%run_scoped3A_32, %mul3A_31] : memref<16x10240xf32, #tpu.memory_space<vmem_shared>> -> memref<1x640xf32, #tpu.memory_space<vmem_shared>>
        %dma_start3A_169 = tpu.memref_squeeze %dma_start3A : memref<1x640xf32, #tpu.memory_space<vmem_shared>> -> memref<640xf32, #tpu.memory_space<vmem_shared>>
        %dma_start3A_170 = tpu.memref_slice %arg10[%run_scoped3A_32, %mul3A_31] : memref<16x10240xf32, #tpu.memory_space<vmem_shared>> -> memref<1x640xf32, #tpu.memory_space<vmem_shared>>
        %dma_start3A_171 = tpu.memref_squeeze %dma_start3A_170 : memref<1x640xf32, #tpu.memory_space<vmem_shared>> -> memref<640xf32, #tpu.memory_space<vmem_shared>>
        tpu.enqueue_dma source(%dma_start3A_171 : memref<640xf32, #tpu.memory_space<vmem_shared>>) target(%arg7 : memref<640xf32, #tpu.memory_space<vmem>>) target_semaphore(%run_scoped3A_168 : memref<!tpu.dma_semaphore, #tpu.memory_space<semaphore_mem>>)
        %dma_wait3A = tpu.memref_slice %arg10[%run_scoped3A_32, %mul3A_31] : memref<16x10240xf32, #tpu.memory_space<vmem_shared>> -> memref<1x640xf32, #tpu.memory_space<vmem_shared>>
        %dma_wait3A_172 = tpu.memref_squeeze %dma_wait3A : memref<1x640xf32, #tpu.memory_space<vmem_shared>> -> memref<640xf32, #tpu.memory_space<vmem_shared>>
        %dma_wait3A_173 = tpu.memref_slice %arg10[%run_scoped3A_32, %mul3A_31] : memref<16x10240xf32, #tpu.memory_space<vmem_shared>> -> memref<1x640xf32, #tpu.memory_space<vmem_shared>>
        %dma_wait3A_174 = tpu.memref_squeeze %dma_wait3A_173 : memref<1x640xf32, #tpu.memory_space<vmem_shared>> -> memref<640xf32, #tpu.memory_space<vmem_shared>>
        tpu.wait_dma2 semaphore(%run_scoped3A_168 : memref<!tpu.dma_semaphore, #tpu.memory_space<semaphore_mem>>) src(%dma_wait3A_174 : memref<640xf32, #tpu.memory_space<vmem_shared>>) dst(%arg7 : memref<640xf32, #tpu.memory_space<vmem>>)
        tpu.yield
      }) : () -> ()
      %scan3A_33 = arith.constant 0 : i32
      %scan3A_34 = arith.constant 0 : i32
      %scan3A_35 = arith.constant 40 : i32
      %scan3A_36 = arith.addi %scan3A_34, %scan3A_35 : i32
      %scan3A_37 = arith.constant 1 : i32
      scf.for %scan3A_168 = %scan3A_34 to %scan3A_36 step %scan3A_37  : i32 {
        %mul3A_169 = arith.constant 16 : i32
        %mul3A_170 = arith.muli %scan3A_168, %mul3A_169 : i32
        %get3A = arith.index_cast %mul3A_170 : i32 to index
        %get3A_171 = tpu.vector_load %arg6[%get3A] {strides = array<i32>} : memref<640xf32, #tpu.memory_space<vmem>>, vector<16xf32>,
        %get3A_172 = arith.index_cast %mul3A_170 : i32 to index
        %get3A_173 = tpu.vector_load %arg7[%get3A_172] {strides = array<i32>} : memref<640xf32, #tpu.memory_space<vmem>>, vector<16xf32>,
        %add3A = arith.addf %get3A_171, %get3A_173 : vector<16xf32>
        %swap3A = arith.index_cast %mul3A_170 : i32 to index
        %swap3A_174 = tpu.vector_load %arg6[%swap3A] {strides = array<i32>} : memref<640xf32, #tpu.memory_space<vmem>>, vector<16xf32>,
        tpu.vector_store %arg6[%swap3A], %add3A {strides = array<i32>} : memref<640xf32, #tpu.memory_space<vmem>>, vector<16xf32>,
      }
      %scan3A_38 = arith.constant 40 : i32
      %mul3A_39 = arith.constant 640 : i32
      %mul3A_40 = arith.muli %arg1, %mul3A_39 : i32
      %run_scoped3A_41 = arith.constant 3 : i32
      "tpu.region"() ({
        %run_scoped3A_168 = tpu.sem_alloc : memref<!tpu.dma_semaphore, #tpu.memory_space<semaphore_mem>>
        %dma_start3A = tpu.memref_slice %arg10[%run_scoped3A_41, %mul3A_40] : memref<16x10240xf32, #tpu.memory_space<vmem_shared>> -> memref<1x640xf32, #tpu.memory_space<vmem_shared>>
        %dma_start3A_169 = tpu.memref_squeeze %dma_start3A : memref<1x640xf32, #tpu.memory_space<vmem_shared>> -> memref<640xf32, #tpu.memory_space<vmem_shared>>
        %dma_start3A_170 = tpu.memref_slice %arg10[%run_scoped3A_41, %mul3A_40] : memref<16x10240xf32, #tpu.memory_space<vmem_shared>> -> memref<1x640xf32, #tpu.memory_space<vmem_shared>>
        %dma_start3A_171 = tpu.memref_squeeze %dma_start3A_170 : memref<1x640xf32, #tpu.memory_space<vmem_shared>> -> memref<640xf32, #tpu.memory_space<vmem_shared>>
        tpu.enqueue_dma source(%dma_start3A_171 : memref<640xf32, #tpu.memory_space<vmem_shared>>) target(%arg7 : memref<640xf32, #tpu.memory_space<vmem>>) target_semaphore(%run_scoped3A_168 : memref<!tpu.dma_semaphore, #tpu.memory_space<semaphore_mem>>)
        %dma_wait3A = tpu.memref_slice %arg10[%run_scoped3A_41, %mul3A_40] : memref<16x10240xf32, #tpu.memory_space<vmem_shared>> -> memref<1x640xf32, #tpu.memory_space<vmem_shared>>
        %dma_wait3A_172 = tpu.memref_squeeze %dma_wait3A : memref<1x640xf32, #tpu.memory_space<vmem_shared>> -> memref<640xf32, #tpu.memory_space<vmem_shared>>
        %dma_wait3A_173 = tpu.memref_slice %arg10[%run_scoped3A_41, %mul3A_40] : memref<16x10240xf32, #tpu.memory_space<vmem_shared>> -> memref<1x640xf32, #tpu.memory_space<vmem_shared>>
        %dma_wait3A_174 = tpu.memref_squeeze %dma_wait3A_173 : memref<1x640xf32, #tpu.memory_space<vmem_shared>> -> memref<640xf32, #tpu.memory_space<vmem_shared>>
        tpu.wait_dma2 semaphore(%run_scoped3A_168 : memref<!tpu.dma_semaphore, #tpu.memory_space<semaphore_mem>>) src(%dma_wait3A_174 : memref<640xf32, #tpu.memory_space<vmem_shared>>) dst(%arg7 : memref<640xf32, #tpu.memory_space<vmem>>)
        tpu.yield
      }) : () -> ()
      %scan3A_42 = arith.constant 0 : i32
      %scan3A_43 = arith.constant 0 : i32
      %scan3A_44 = arith.constant 40 : i32
      %scan3A_45 = arith.addi %scan3A_43, %scan3A_44 : i32
      %scan3A_46 = arith.constant 1 : i32
      scf.for %scan3A_168 = %scan3A_43 to %scan3A_45 step %scan3A_46  : i32 {
        %mul3A_169 = arith.constant 16 : i32
        %mul3A_170 = arith.muli %scan3A_168, %mul3A_169 : i32
        %get3A = arith.index_cast %mul3A_170 : i32 to index
        %get3A_171 = tpu.vector_load %arg6[%get3A] {strides = array<i32>} : memref<640xf32, #tpu.memory_space<vmem>>, vector<16xf32>,
        %get3A_172 = arith.index_cast %mul3A_170 : i32 to index
        %get3A_173 = tpu.vector_load %arg7[%get3A_172] {strides = array<i32>} : memref<640xf32, #tpu.memory_space<vmem>>, vector<16xf32>,
        %add3A = arith.addf %get3A_171, %get3A_173 : vector<16xf32>
        %swap3A = arith.index_cast %mul3A_170 : i32 to index
        %swap3A_174 = tpu.vector_load %arg6[%swap3A] {strides = array<i32>} : memref<640xf32, #tpu.memory_space<vmem>>, vector<16xf32>,
        tpu.vector_store %arg6[%swap3A], %add3A {strides = array<i32>} : memref<640xf32, #tpu.memory_space<vmem>>, vector<16xf32>,
      }
      %scan3A_47 = arith.constant 40 : i32
      %mul3A_48 = arith.constant 640 : i32
      %mul3A_49 = arith.muli %arg1, %mul3A_48 : i32
      %run_scoped3A_50 = arith.constant 4 : i32
      "tpu.region"() ({
        %run_scoped3A_168 = tpu.sem_alloc : memref<!tpu.dma_semaphore, #tpu.memory_space<semaphore_mem>>
        %dma_start3A = tpu.memref_slice %arg10[%run_scoped3A_50, %mul3A_49] : memref<16x10240xf32, #tpu.memory_space<vmem_shared>> -> memref<1x640xf32, #tpu.memory_space<vmem_shared>>
        %dma_start3A_169 = tpu.memref_squeeze %dma_start3A : memref<1x640xf32, #tpu.memory_space<vmem_shared>> -> memref<640xf32, #tpu.memory_space<vmem_shared>>
        %dma_start3A_170 = tpu.memref_slice %arg10[%run_scoped3A_50, %mul3A_49] : memref<16x10240xf32, #tpu.memory_space<vmem_shared>> -> memref<1x640xf32, #tpu.memory_space<vmem_shared>>
        %dma_start3A_171 = tpu.memref_squeeze %dma_start3A_170 : memref<1x640xf32, #tpu.memory_space<vmem_shared>> -> memref<640xf32, #tpu.memory_space<vmem_shared>>
        tpu.enqueue_dma source(%dma_start3A_171 : memref<640xf32, #tpu.memory_space<vmem_shared>>) target(%arg7 : memref<640xf32, #tpu.memory_space<vmem>>) target_semaphore(%run_scoped3A_168 : memref<!tpu.dma_semaphore, #tpu.memory_space<semaphore_mem>>)
        %dma_wait3A = tpu.memref_slice %arg10[%run_scoped3A_50, %mul3A_49] : memref<16x10240xf32, #tpu.memory_space<vmem_shared>> -> memref<1x640xf32, #tpu.memory_space<vmem_shared>>
        %dma_wait3A_172 = tpu.memref_squeeze %dma_wait3A : memref<1x640xf32, #tpu.memory_space<vmem_shared>> -> memref<640xf32, #tpu.memory_space<vmem_shared>>
        %dma_wait3A_173 = tpu.memref_slice %arg10[%run_scoped3A_50, %mul3A_49] : memref<16x10240xf32, #tpu.memory_space<vmem_shared>> -> memref<1x640xf32, #tpu.memory_space<vmem_shared>>
        %dma_wait3A_174 = tpu.memref_squeeze %dma_wait3A_173 : memref<1x640xf32, #tpu.memory_space<vmem_shared>> -> memref<640xf32, #tpu.memory_space<vmem_shared>>
        tpu.wait_dma2 semaphore(%run_scoped3A_168 : memref<!tpu.dma_semaphore, #tpu.memory_space<semaphore_mem>>) src(%dma_wait3A_174 : memref<640xf32, #tpu.memory_space<vmem_shared>>) dst(%arg7 : memref<640xf32, #tpu.memory_space<vmem>>)
        tpu.yield
      }) : () -> ()
      %scan3A_51 = arith.constant 0 : i32
      %scan3A_52 = arith.constant 0 : i32
      %scan3A_53 = arith.constant 40 : i32
      %scan3A_54 = arith.addi %scan3A_52, %scan3A_53 : i32
      %scan3A_55 = arith.constant 1 : i32
      scf.for %scan3A_168 = %scan3A_52 to %scan3A_54 step %scan3A_55  : i32 {
        %mul3A_169 = arith.constant 16 : i32
        %mul3A_170 = arith.muli %scan3A_168, %mul3A_169 : i32
        %get3A = arith.index_cast %mul3A_170 : i32 to index
        %get3A_171 = tpu.vector_load %arg6[%get3A] {strides = array<i32>} : memref<640xf32, #tpu.memory_space<vmem>>, vector<16xf32>,
        %get3A_172 = arith.index_cast %mul3A_170 : i32 to index
        %get3A_173 = tpu.vector_load %arg7[%get3A_172] {strides = array<i32>} : memref<640xf32, #tpu.memory_space<vmem>>, vector<16xf32>,
        %add3A = arith.addf %get3A_171, %get3A_173 : vector<16xf32>
        %swap3A = arith.index_cast %mul3A_170 : i32 to index
        %swap3A_174 = tpu.vector_load %arg6[%swap3A] {strides = array<i32>} : memref<640xf32, #tpu.memory_space<vmem>>, vector<16xf32>,
        tpu.vector_store %arg6[%swap3A], %add3A {strides = array<i32>} : memref<640xf32, #tpu.memory_space<vmem>>, vector<16xf32>,
      }
      %scan3A_56 = arith.constant 40 : i32
      %mul3A_57 = arith.constant 640 : i32
      %mul3A_58 = arith.muli %arg1, %mul3A_57 : i32
      %run_scoped3A_59 = arith.constant 5 : i32
      "tpu.region"() ({
        %run_scoped3A_168 = tpu.sem_alloc : memref<!tpu.dma_semaphore, #tpu.memory_space<semaphore_mem>>
        %dma_start3A = tpu.memref_slice %arg10[%run_scoped3A_59, %mul3A_58] : memref<16x10240xf32, #tpu.memory_space<vmem_shared>> -> memref<1x640xf32, #tpu.memory_space<vmem_shared>>
        %dma_start3A_169 = tpu.memref_squeeze %dma_start3A : memref<1x640xf32, #tpu.memory_space<vmem_shared>> -> memref<640xf32, #tpu.memory_space<vmem_shared>>
        %dma_start3A_170 = tpu.memref_slice %arg10[%run_scoped3A_59, %mul3A_58] : memref<16x10240xf32, #tpu.memory_space<vmem_shared>> -> memref<1x640xf32, #tpu.memory_space<vmem_shared>>
        %dma_start3A_171 = tpu.memref_squeeze %dma_start3A_170 : memref<1x640xf32, #tpu.memory_space<vmem_shared>> -> memref<640xf32, #tpu.memory_space<vmem_shared>>
        tpu.enqueue_dma source(%dma_start3A_171 : memref<640xf32, #tpu.memory_space<vmem_shared>>) target(%arg7 : memref<640xf32, #tpu.memory_space<vmem>>) target_semaphore(%run_scoped3A_168 : memref<!tpu.dma_semaphore, #tpu.memory_space<semaphore_mem>>)
        %dma_wait3A = tpu.memref_slice %arg10[%run_scoped3A_59, %mul3A_58] : memref<16x10240xf32, #tpu.memory_space<vmem_shared>> -> memref<1x640xf32, #tpu.memory_space<vmem_shared>>
        %dma_wait3A_172 = tpu.memref_squeeze %dma_wait3A : memref<1x640xf32, #tpu.memory_space<vmem_shared>> -> memref<640xf32, #tpu.memory_space<vmem_shared>>
        %dma_wait3A_173 = tpu.memref_slice %arg10[%run_scoped3A_59, %mul3A_58] : memref<16x10240xf32, #tpu.memory_space<vmem_shared>> -> memref<1x640xf32, #tpu.memory_space<vmem_shared>>
        %dma_wait3A_174 = tpu.memref_squeeze %dma_wait3A_173 : memref<1x640xf32, #tpu.memory_space<vmem_shared>> -> memref<640xf32, #tpu.memory_space<vmem_shared>>
        tpu.wait_dma2 semaphore(%run_scoped3A_168 : memref<!tpu.dma_semaphore, #tpu.memory_space<semaphore_mem>>) src(%dma_wait3A_174 : memref<640xf32, #tpu.memory_space<vmem_shared>>) dst(%arg7 : memref<640xf32, #tpu.memory_space<vmem>>)
        tpu.yield
      }) : () -> ()
      %scan3A_60 = arith.constant 0 : i32
      %scan3A_61 = arith.constant 0 : i32
      %scan3A_62 = arith.constant 40 : i32
      %scan3A_63 = arith.addi %scan3A_61, %scan3A_62 : i32
      %scan3A_64 = arith.constant 1 : i32
      scf.for %scan3A_168 = %scan3A_61 to %scan3A_63 step %scan3A_64  : i32 {
        %mul3A_169 = arith.constant 16 : i32
        %mul3A_170 = arith.muli %scan3A_168, %mul3A_169 : i32
        %get3A = arith.index_cast %mul3A_170 : i32 to index
        %get3A_171 = tpu.vector_load %arg6[%get3A] {strides = array<i32>} : memref<640xf32, #tpu.memory_space<vmem>>, vector<16xf32>,
        %get3A_172 = arith.index_cast %mul3A_170 : i32 to index
        %get3A_173 = tpu.vector_load %arg7[%get3A_172] {strides = array<i32>} : memref<640xf32, #tpu.memory_space<vmem>>, vector<16xf32>,
        %add3A = arith.addf %get3A_171, %get3A_173 : vector<16xf32>
        %swap3A = arith.index_cast %mul3A_170 : i32 to index
        %swap3A_174 = tpu.vector_load %arg6[%swap3A] {strides = array<i32>} : memref<640xf32, #tpu.memory_space<vmem>>, vector<16xf32>,
        tpu.vector_store %arg6[%swap3A], %add3A {strides = array<i32>} : memref<640xf32, #tpu.memory_space<vmem>>, vector<16xf32>,
      }
      %scan3A_65 = arith.constant 40 : i32
      %mul3A_66 = arith.constant 640 : i32
      %mul3A_67 = arith.muli %arg1, %mul3A_66 : i32
      %run_scoped3A_68 = arith.constant 6 : i32
      "tpu.region"() ({
        %run_scoped3A_168 = tpu.sem_alloc : memref<!tpu.dma_semaphore, #tpu.memory_space<semaphore_mem>>
        %dma_start3A = tpu.memref_slice %arg10[%run_scoped3A_68, %mul3A_67] : memref<16x10240xf32, #tpu.memory_space<vmem_shared>> -> memref<1x640xf32, #tpu.memory_space<vmem_shared>>
        %dma_start3A_169 = tpu.memref_squeeze %dma_start3A : memref<1x640xf32, #tpu.memory_space<vmem_shared>> -> memref<640xf32, #tpu.memory_space<vmem_shared>>
        %dma_start3A_170 = tpu.memref_slice %arg10[%run_scoped3A_68, %mul3A_67] : memref<16x10240xf32, #tpu.memory_space<vmem_shared>> -> memref<1x640xf32, #tpu.memory_space<vmem_shared>>
        %dma_start3A_171 = tpu.memref_squeeze %dma_start3A_170 : memref<1x640xf32, #tpu.memory_space<vmem_shared>> -> memref<640xf32, #tpu.memory_space<vmem_shared>>
        tpu.enqueue_dma source(%dma_start3A_171 : memref<640xf32, #tpu.memory_space<vmem_shared>>) target(%arg7 : memref<640xf32, #tpu.memory_space<vmem>>) target_semaphore(%run_scoped3A_168 : memref<!tpu.dma_semaphore, #tpu.memory_space<semaphore_mem>>)
        %dma_wait3A = tpu.memref_slice %arg10[%run_scoped3A_68, %mul3A_67] : memref<16x10240xf32, #tpu.memory_space<vmem_shared>> -> memref<1x640xf32, #tpu.memory_space<vmem_shared>>
        %dma_wait3A_172 = tpu.memref_squeeze %dma_wait3A : memref<1x640xf32, #tpu.memory_space<vmem_shared>> -> memref<640xf32, #tpu.memory_space<vmem_shared>>
        %dma_wait3A_173 = tpu.memref_slice %arg10[%run_scoped3A_68, %mul3A_67] : memref<16x10240xf32, #tpu.memory_space<vmem_shared>> -> memref<1x640xf32, #tpu.memory_space<vmem_shared>>
        %dma_wait3A_174 = tpu.memref_squeeze %dma_wait3A_173 : memref<1x640xf32, #tpu.memory_space<vmem_shared>> -> memref<640xf32, #tpu.memory_space<vmem_shared>>
        tpu.wait_dma2 semaphore(%run_scoped3A_168 : memref<!tpu.dma_semaphore, #tpu.memory_space<semaphore_mem>>) src(%dma_wait3A_174 : memref<640xf32, #tpu.memory_space<vmem_shared>>) dst(%arg7 : memref<640xf32, #tpu.memory_space<vmem>>)
        tpu.yield
      }) : () -> ()
      %scan3A_69 = arith.constant 0 : i32
      %scan3A_70 = arith.constant 0 : i32
      %scan3A_71 = arith.constant 40 : i32
      %scan3A_72 = arith.addi %scan3A_70, %scan3A_71 : i32
      %scan3A_73 = arith.constant 1 : i32
      scf.for %scan3A_168 = %scan3A_70 to %scan3A_72 step %scan3A_73  : i32 {
        %mul3A_169 = arith.constant 16 : i32
        %mul3A_170 = arith.muli %scan3A_168, %mul3A_169 : i32
        %get3A = arith.index_cast %mul3A_170 : i32 to index
        %get3A_171 = tpu.vector_load %arg6[%get3A] {strides = array<i32>} : memref<640xf32, #tpu.memory_space<vmem>>, vector<16xf32>,
        %get3A_172 = arith.index_cast %mul3A_170 : i32 to index
        %get3A_173 = tpu.vector_load %arg7[%get3A_172] {strides = array<i32>} : memref<640xf32, #tpu.memory_space<vmem>>, vector<16xf32>,
        %add3A = arith.addf %get3A_171, %get3A_173 : vector<16xf32>
        %swap3A = arith.index_cast %mul3A_170 : i32 to index
        %swap3A_174 = tpu.vector_load %arg6[%swap3A] {strides = array<i32>} : memref<640xf32, #tpu.memory_space<vmem>>, vector<16xf32>,
        tpu.vector_store %arg6[%swap3A], %add3A {strides = array<i32>} : memref<640xf32, #tpu.memory_space<vmem>>, vector<16xf32>,
      }
      %scan3A_74 = arith.constant 40 : i32
      %mul3A_75 = arith.constant 640 : i32
      %mul3A_76 = arith.muli %arg1, %mul3A_75 : i32
      %run_scoped3A_77 = arith.constant 7 : i32
      "tpu.region"() ({
        %run_scoped3A_168 = tpu.sem_alloc : memref<!tpu.dma_semaphore, #tpu.memory_space<semaphore_mem>>
        %dma_start3A = tpu.memref_slice %arg10[%run_scoped3A_77, %mul3A_76] : memref<16x10240xf32, #tpu.memory_space<vmem_shared>> -> memref<1x640xf32, #tpu.memory_space<vmem_shared>>
        %dma_start3A_169 = tpu.memref_squeeze %dma_start3A : memref<1x640xf32, #tpu.memory_space<vmem_shared>> -> memref<640xf32, #tpu.memory_space<vmem_shared>>
        %dma_start3A_170 = tpu.memref_slice %arg10[%run_scoped3A_77, %mul3A_76] : memref<16x10240xf32, #tpu.memory_space<vmem_shared>> -> memref<1x640xf32, #tpu.memory_space<vmem_shared>>
        %dma_start3A_171 = tpu.memref_squeeze %dma_start3A_170 : memref<1x640xf32, #tpu.memory_space<vmem_shared>> -> memref<640xf32, #tpu.memory_space<vmem_shared>>
        tpu.enqueue_dma source(%dma_start3A_171 : memref<640xf32, #tpu.memory_space<vmem_shared>>) target(%arg7 : memref<640xf32, #tpu.memory_space<vmem>>) target_semaphore(%run_scoped3A_168 : memref<!tpu.dma_semaphore, #tpu.memory_space<semaphore_mem>>)
        %dma_wait3A = tpu.memref_slice %arg10[%run_scoped3A_77, %mul3A_76] : memref<16x10240xf32, #tpu.memory_space<vmem_shared>> -> memref<1x640xf32, #tpu.memory_space<vmem_shared>>
        %dma_wait3A_172 = tpu.memref_squeeze %dma_wait3A : memref<1x640xf32, #tpu.memory_space<vmem_shared>> -> memref<640xf32, #tpu.memory_space<vmem_shared>>
        %dma_wait3A_173 = tpu.memref_slice %arg10[%run_scoped3A_77, %mul3A_76] : memref<16x10240xf32, #tpu.memory_space<vmem_shared>> -> memref<1x640xf32, #tpu.memory_space<vmem_shared>>
        %dma_wait3A_174 = tpu.memref_squeeze %dma_wait3A_173 : memref<1x640xf32, #tpu.memory_space<vmem_shared>> -> memref<640xf32, #tpu.memory_space<vmem_shared>>
        tpu.wait_dma2 semaphore(%run_scoped3A_168 : memref<!tpu.dma_semaphore, #tpu.memory_space<semaphore_mem>>) src(%dma_wait3A_174 : memref<640xf32, #tpu.memory_space<vmem_shared>>) dst(%arg7 : memref<640xf32, #tpu.memory_space<vmem>>)
        tpu.yield
      }) : () -> ()
      %scan3A_78 = arith.constant 0 : i32
      %scan3A_79 = arith.constant 0 : i32
      %scan3A_80 = arith.constant 40 : i32
      %scan3A_81 = arith.addi %scan3A_79, %scan3A_80 : i32
      %scan3A_82 = arith.constant 1 : i32
      scf.for %scan3A_168 = %scan3A_79 to %scan3A_81 step %scan3A_82  : i32 {
        %mul3A_169 = arith.constant 16 : i32
        %mul3A_170 = arith.muli %scan3A_168, %mul3A_169 : i32
        %get3A = arith.index_cast %mul3A_170 : i32 to index
        %get3A_171 = tpu.vector_load %arg6[%get3A] {strides = array<i32>} : memref<640xf32, #tpu.memory_space<vmem>>, vector<16xf32>,
        %get3A_172 = arith.index_cast %mul3A_170 : i32 to index
        %get3A_173 = tpu.vector_load %arg7[%get3A_172] {strides = array<i32>} : memref<640xf32, #tpu.memory_space<vmem>>, vector<16xf32>,
        %add3A = arith.addf %get3A_171, %get3A_173 : vector<16xf32>
        %swap3A = arith.index_cast %mul3A_170 : i32 to index
        %swap3A_174 = tpu.vector_load %arg6[%swap3A] {strides = array<i32>} : memref<640xf32, #tpu.memory_space<vmem>>, vector<16xf32>,
        tpu.vector_store %arg6[%swap3A], %add3A {strides = array<i32>} : memref<640xf32, #tpu.memory_space<vmem>>, vector<16xf32>,
      }
      %scan3A_83 = arith.constant 40 : i32
      %mul3A_84 = arith.constant 640 : i32
      %mul3A_85 = arith.muli %arg1, %mul3A_84 : i32
      %run_scoped3A_86 = arith.constant 8 : i32
      "tpu.region"() ({
        %run_scoped3A_168 = tpu.sem_alloc : memref<!tpu.dma_semaphore, #tpu.memory_space<semaphore_mem>>
        %dma_start3A = tpu.memref_slice %arg10[%run_scoped3A_86, %mul3A_85] : memref<16x10240xf32, #tpu.memory_space<vmem_shared>> -> memref<1x640xf32, #tpu.memory_space<vmem_shared>>
        %dma_start3A_169 = tpu.memref_squeeze %dma_start3A : memref<1x640xf32, #tpu.memory_space<vmem_shared>> -> memref<640xf32, #tpu.memory_space<vmem_shared>>
        %dma_start3A_170 = tpu.memref_slice %arg10[%run_scoped3A_86, %mul3A_85] : memref<16x10240xf32, #tpu.memory_space<vmem_shared>> -> memref<1x640xf32, #tpu.memory_space<vmem_shared>>
        %dma_start3A_171 = tpu.memref_squeeze %dma_start3A_170 : memref<1x640xf32, #tpu.memory_space<vmem_shared>> -> memref<640xf32, #tpu.memory_space<vmem_shared>>
        tpu.enqueue_dma source(%dma_start3A_171 : memref<640xf32, #tpu.memory_space<vmem_shared>>) target(%arg7 : memref<640xf32, #tpu.memory_space<vmem>>) target_semaphore(%run_scoped3A_168 : memref<!tpu.dma_semaphore, #tpu.memory_space<semaphore_mem>>)
        %dma_wait3A = tpu.memref_slice %arg10[%run_scoped3A_86, %mul3A_85] : memref<16x10240xf32, #tpu.memory_space<vmem_shared>> -> memref<1x640xf32, #tpu.memory_space<vmem_shared>>
        %dma_wait3A_172 = tpu.memref_squeeze %dma_wait3A : memref<1x640xf32, #tpu.memory_space<vmem_shared>> -> memref<640xf32, #tpu.memory_space<vmem_shared>>
        %dma_wait3A_173 = tpu.memref_slice %arg10[%run_scoped3A_86, %mul3A_85] : memref<16x10240xf32, #tpu.memory_space<vmem_shared>> -> memref<1x640xf32, #tpu.memory_space<vmem_shared>>
        %dma_wait3A_174 = tpu.memref_squeeze %dma_wait3A_173 : memref<1x640xf32, #tpu.memory_space<vmem_shared>> -> memref<640xf32, #tpu.memory_space<vmem_shared>>
        tpu.wait_dma2 semaphore(%run_scoped3A_168 : memref<!tpu.dma_semaphore, #tpu.memory_space<semaphore_mem>>) src(%dma_wait3A_174 : memref<640xf32, #tpu.memory_space<vmem_shared>>) dst(%arg7 : memref<640xf32, #tpu.memory_space<vmem>>)
        tpu.yield
      }) : () -> ()
      %scan3A_87 = arith.constant 0 : i32
      %scan3A_88 = arith.constant 0 : i32
      %scan3A_89 = arith.constant 40 : i32
      %scan3A_90 = arith.addi %scan3A_88, %scan3A_89 : i32
      %scan3A_91 = arith.constant 1 : i32
      scf.for %scan3A_168 = %scan3A_88 to %scan3A_90 step %scan3A_91  : i32 {
        %mul3A_169 = arith.constant 16 : i32
        %mul3A_170 = arith.muli %scan3A_168, %mul3A_169 : i32
        %get3A = arith.index_cast %mul3A_170 : i32 to index
        %get3A_171 = tpu.vector_load %arg6[%get3A] {strides = array<i32>} : memref<640xf32, #tpu.memory_space<vmem>>, vector<16xf32>,
        %get3A_172 = arith.index_cast %mul3A_170 : i32 to index
        %get3A_173 = tpu.vector_load %arg7[%get3A_172] {strides = array<i32>} : memref<640xf32, #tpu.memory_space<vmem>>, vector<16xf32>,
        %add3A = arith.addf %get3A_171, %get3A_173 : vector<16xf32>
        %swap3A = arith.index_cast %mul3A_170 : i32 to index
        %swap3A_174 = tpu.vector_load %arg6[%swap3A] {strides = array<i32>} : memref<640xf32, #tpu.memory_space<vmem>>, vector<16xf32>,
        tpu.vector_store %arg6[%swap3A], %add3A {strides = array<i32>} : memref<640xf32, #tpu.memory_space<vmem>>, vector<16xf32>,
      }
      %scan3A_92 = arith.constant 40 : i32
      %mul3A_93 = arith.constant 640 : i32
      %mul3A_94 = arith.muli %arg1, %mul3A_93 : i32
      %run_scoped3A_95 = arith.constant 9 : i32
      "tpu.region"() ({
        %run_scoped3A_168 = tpu.sem_alloc : memref<!tpu.dma_semaphore, #tpu.memory_space<semaphore_mem>>
        %dma_start3A = tpu.memref_slice %arg10[%run_scoped3A_95, %mul3A_94] : memref<16x10240xf32, #tpu.memory_space<vmem_shared>> -> memref<1x640xf32, #tpu.memory_space<vmem_shared>>
        %dma_start3A_169 = tpu.memref_squeeze %dma_start3A : memref<1x640xf32, #tpu.memory_space<vmem_shared>> -> memref<640xf32, #tpu.memory_space<vmem_shared>>
        %dma_start3A_170 = tpu.memref_slice %arg10[%run_scoped3A_95, %mul3A_94] : memref<16x10240xf32, #tpu.memory_space<vmem_shared>> -> memref<1x640xf32, #tpu.memory_space<vmem_shared>>
        %dma_start3A_171 = tpu.memref_squeeze %dma_start3A_170 : memref<1x640xf32, #tpu.memory_space<vmem_shared>> -> memref<640xf32, #tpu.memory_space<vmem_shared>>
        tpu.enqueue_dma source(%dma_start3A_171 : memref<640xf32, #tpu.memory_space<vmem_shared>>) target(%arg7 : memref<640xf32, #tpu.memory_space<vmem>>) target_semaphore(%run_scoped3A_168 : memref<!tpu.dma_semaphore, #tpu.memory_space<semaphore_mem>>)
        %dma_wait3A = tpu.memref_slice %arg10[%run_scoped3A_95, %mul3A_94] : memref<16x10240xf32, #tpu.memory_space<vmem_shared>> -> memref<1x640xf32, #tpu.memory_space<vmem_shared>>
        %dma_wait3A_172 = tpu.memref_squeeze %dma_wait3A : memref<1x640xf32, #tpu.memory_space<vmem_shared>> -> memref<640xf32, #tpu.memory_space<vmem_shared>>
        %dma_wait3A_173 = tpu.memref_slice %arg10[%run_scoped3A_95, %mul3A_94] : memref<16x10240xf32, #tpu.memory_space<vmem_shared>> -> memref<1x640xf32, #tpu.memory_space<vmem_shared>>
        %dma_wait3A_174 = tpu.memref_squeeze %dma_wait3A_173 : memref<1x640xf32, #tpu.memory_space<vmem_shared>> -> memref<640xf32, #tpu.memory_space<vmem_shared>>
        tpu.wait_dma2 semaphore(%run_scoped3A_168 : memref<!tpu.dma_semaphore, #tpu.memory_space<semaphore_mem>>) src(%dma_wait3A_174 : memref<640xf32, #tpu.memory_space<vmem_shared>>) dst(%arg7 : memref<640xf32, #tpu.memory_space<vmem>>)
        tpu.yield
      }) : () -> ()
      %scan3A_96 = arith.constant 0 : i32
      %scan3A_97 = arith.constant 0 : i32
      %scan3A_98 = arith.constant 40 : i32
      %scan3A_99 = arith.addi %scan3A_97, %scan3A_98 : i32
      %scan3A_100 = arith.constant 1 : i32
      scf.for %scan3A_168 = %scan3A_97 to %scan3A_99 step %scan3A_100  : i32 {
        %mul3A_169 = arith.constant 16 : i32
        %mul3A_170 = arith.muli %scan3A_168, %mul3A_169 : i32
        %get3A = arith.index_cast %mul3A_170 : i32 to index
        %get3A_171 = tpu.vector_load %arg6[%get3A] {strides = array<i32>} : memref<640xf32, #tpu.memory_space<vmem>>, vector<16xf32>,
        %get3A_172 = arith.index_cast %mul3A_170 : i32 to index
        %get3A_173 = tpu.vector_load %arg7[%get3A_172] {strides = array<i32>} : memref<640xf32, #tpu.memory_space<vmem>>, vector<16xf32>,
        %add3A = arith.addf %get3A_171, %get3A_173 : vector<16xf32>
        %swap3A = arith.index_cast %mul3A_170 : i32 to index
        %swap3A_174 = tpu.vector_load %arg6[%swap3A] {strides = array<i32>} : memref<640xf32, #tpu.memory_space<vmem>>, vector<16xf32>,
        tpu.vector_store %arg6[%swap3A], %add3A {strides = array<i32>} : memref<640xf32, #tpu.memory_space<vmem>>, vector<16xf32>,
      }
      %scan3A_101 = arith.constant 40 : i32
      %mul3A_102 = arith.constant 640 : i32
      %mul3A_103 = arith.muli %arg1, %mul3A_102 : i32
      %run_scoped3A_104 = arith.constant 10 : i32
      "tpu.region"() ({
        %run_scoped3A_168 = tpu.sem_alloc : memref<!tpu.dma_semaphore, #tpu.memory_space<semaphore_mem>>
        %dma_start3A = tpu.memref_slice %arg10[%run_scoped3A_104, %mul3A_103] : memref<16x10240xf32, #tpu.memory_space<vmem_shared>> -> memref<1x640xf32, #tpu.memory_space<vmem_shared>>
        %dma_start3A_169 = tpu.memref_squeeze %dma_start3A : memref<1x640xf32, #tpu.memory_space<vmem_shared>> -> memref<640xf32, #tpu.memory_space<vmem_shared>>
        %dma_start3A_170 = tpu.memref_slice %arg10[%run_scoped3A_104, %mul3A_103] : memref<16x10240xf32, #tpu.memory_space<vmem_shared>> -> memref<1x640xf32, #tpu.memory_space<vmem_shared>>
        %dma_start3A_171 = tpu.memref_squeeze %dma_start3A_170 : memref<1x640xf32, #tpu.memory_space<vmem_shared>> -> memref<640xf32, #tpu.memory_space<vmem_shared>>
        tpu.enqueue_dma source(%dma_start3A_171 : memref<640xf32, #tpu.memory_space<vmem_shared>>) target(%arg7 : memref<640xf32, #tpu.memory_space<vmem>>) target_semaphore(%run_scoped3A_168 : memref<!tpu.dma_semaphore, #tpu.memory_space<semaphore_mem>>)
        %dma_wait3A = tpu.memref_slice %arg10[%run_scoped3A_104, %mul3A_103] : memref<16x10240xf32, #tpu.memory_space<vmem_shared>> -> memref<1x640xf32, #tpu.memory_space<vmem_shared>>
        %dma_wait3A_172 = tpu.memref_squeeze %dma_wait3A : memref<1x640xf32, #tpu.memory_space<vmem_shared>> -> memref<640xf32, #tpu.memory_space<vmem_shared>>
        %dma_wait3A_173 = tpu.memref_slice %arg10[%run_scoped3A_104, %mul3A_103] : memref<16x10240xf32, #tpu.memory_space<vmem_shared>> -> memref<1x640xf32, #tpu.memory_space<vmem_shared>>
        %dma_wait3A_174 = tpu.memref_squeeze %dma_wait3A_173 : memref<1x640xf32, #tpu.memory_space<vmem_shared>> -> memref<640xf32, #tpu.memory_space<vmem_shared>>
        tpu.wait_dma2 semaphore(%run_scoped3A_168 : memref<!tpu.dma_semaphore, #tpu.memory_space<semaphore_mem>>) src(%dma_wait3A_174 : memref<640xf32, #tpu.memory_space<vmem_shared>>) dst(%arg7 : memref<640xf32, #tpu.memory_space<vmem>>)
        tpu.yield
      }) : () -> ()
      %scan3A_105 = arith.constant 0 : i32
      %scan3A_106 = arith.constant 0 : i32
      %scan3A_107 = arith.constant 40 : i32
      %scan3A_108 = arith.addi %scan3A_106, %scan3A_107 : i32
      %scan3A_109 = arith.constant 1 : i32
      scf.for %scan3A_168 = %scan3A_106 to %scan3A_108 step %scan3A_109  : i32 {
        %mul3A_169 = arith.constant 16 : i32
        %mul3A_170 = arith.muli %scan3A_168, %mul3A_169 : i32
        %get3A = arith.index_cast %mul3A_170 : i32 to index
        %get3A_171 = tpu.vector_load %arg6[%get3A] {strides = array<i32>} : memref<640xf32, #tpu.memory_space<vmem>>, vector<16xf32>,
        %get3A_172 = arith.index_cast %mul3A_170 : i32 to index
        %get3A_173 = tpu.vector_load %arg7[%get3A_172] {strides = array<i32>} : memref<640xf32, #tpu.memory_space<vmem>>, vector<16xf32>,
        %add3A = arith.addf %get3A_171, %get3A_173 : vector<16xf32>
        %swap3A = arith.index_cast %mul3A_170 : i32 to index
        %swap3A_174 = tpu.vector_load %arg6[%swap3A] {strides = array<i32>} : memref<640xf32, #tpu.memory_space<vmem>>, vector<16xf32>,
        tpu.vector_store %arg6[%swap3A], %add3A {strides = array<i32>} : memref<640xf32, #tpu.memory_space<vmem>>, vector<16xf32>,
      }
      %scan3A_110 = arith.constant 40 : i32
      %mul3A_111 = arith.constant 640 : i32
      %mul3A_112 = arith.muli %arg1, %mul3A_111 : i32
      %run_scoped3A_113 = arith.constant 11 : i32
      "tpu.region"() ({
        %run_scoped3A_168 = tpu.sem_alloc : memref<!tpu.dma_semaphore, #tpu.memory_space<semaphore_mem>>
        %dma_start3A = tpu.memref_slice %arg10[%run_scoped3A_113, %mul3A_112] : memref<16x10240xf32, #tpu.memory_space<vmem_shared>> -> memref<1x640xf32, #tpu.memory_space<vmem_shared>>
        %dma_start3A_169 = tpu.memref_squeeze %dma_start3A : memref<1x640xf32, #tpu.memory_space<vmem_shared>> -> memref<640xf32, #tpu.memory_space<vmem_shared>>
        %dma_start3A_170 = tpu.memref_slice %arg10[%run_scoped3A_113, %mul3A_112] : memref<16x10240xf32, #tpu.memory_space<vmem_shared>> -> memref<1x640xf32, #tpu.memory_space<vmem_shared>>
        %dma_start3A_171 = tpu.memref_squeeze %dma_start3A_170 : memref<1x640xf32, #tpu.memory_space<vmem_shared>> -> memref<640xf32, #tpu.memory_space<vmem_shared>>
        tpu.enqueue_dma source(%dma_start3A_171 : memref<640xf32, #tpu.memory_space<vmem_shared>>) target(%arg7 : memref<640xf32, #tpu.memory_space<vmem>>) target_semaphore(%run_scoped3A_168 : memref<!tpu.dma_semaphore, #tpu.memory_space<semaphore_mem>>)
        %dma_wait3A = tpu.memref_slice %arg10[%run_scoped3A_113, %mul3A_112] : memref<16x10240xf32, #tpu.memory_space<vmem_shared>> -> memref<1x640xf32, #tpu.memory_space<vmem_shared>>
        %dma_wait3A_172 = tpu.memref_squeeze %dma_wait3A : memref<1x640xf32, #tpu.memory_space<vmem_shared>> -> memref<640xf32, #tpu.memory_space<vmem_shared>>
        %dma_wait3A_173 = tpu.memref_slice %arg10[%run_scoped3A_113, %mul3A_112] : memref<16x10240xf32, #tpu.memory_space<vmem_shared>> -> memref<1x640xf32, #tpu.memory_space<vmem_shared>>
        %dma_wait3A_174 = tpu.memref_squeeze %dma_wait3A_173 : memref<1x640xf32, #tpu.memory_space<vmem_shared>> -> memref<640xf32, #tpu.memory_space<vmem_shared>>
        tpu.wait_dma2 semaphore(%run_scoped3A_168 : memref<!tpu.dma_semaphore, #tpu.memory_space<semaphore_mem>>) src(%dma_wait3A_174 : memref<640xf32, #tpu.memory_space<vmem_shared>>) dst(%arg7 : memref<640xf32, #tpu.memory_space<vmem>>)
        tpu.yield
      }) : () -> ()
      %scan3A_114 = arith.constant 0 : i32
      %scan3A_115 = arith.constant 0 : i32
      %scan3A_116 = arith.constant 40 : i32
      %scan3A_117 = arith.addi %scan3A_115, %scan3A_116 : i32
      %scan3A_118 = arith.constant 1 : i32
      scf.for %scan3A_168 = %scan3A_115 to %scan3A_117 step %scan3A_118  : i32 {
        %mul3A_169 = arith.constant 16 : i32
        %mul3A_170 = arith.muli %scan3A_168, %mul3A_169 : i32
        %get3A = arith.index_cast %mul3A_170 : i32 to index
        %get3A_171 = tpu.vector_load %arg6[%get3A] {strides = array<i32>} : memref<640xf32, #tpu.memory_space<vmem>>, vector<16xf32>,
        %get3A_172 = arith.index_cast %mul3A_170 : i32 to index
        %get3A_173 = tpu.vector_load %arg7[%get3A_172] {strides = array<i32>} : memref<640xf32, #tpu.memory_space<vmem>>, vector<16xf32>,
        %add3A = arith.addf %get3A_171, %get3A_173 : vector<16xf32>
        %swap3A = arith.index_cast %mul3A_170 : i32 to index
        %swap3A_174 = tpu.vector_load %arg6[%swap3A] {strides = array<i32>} : memref<640xf32, #tpu.memory_space<vmem>>, vector<16xf32>,
        tpu.vector_store %arg6[%swap3A], %add3A {strides = array<i32>} : memref<640xf32, #tpu.memory_space<vmem>>, vector<16xf32>,
      }
      %scan3A_119 = arith.constant 40 : i32
      %mul3A_120 = arith.constant 640 : i32
      %mul3A_121 = arith.muli %arg1, %mul3A_120 : i32
      %run_scoped3A_122 = arith.constant 12 : i32
      "tpu.region"() ({
        %run_scoped3A_168 = tpu.sem_alloc : memref<!tpu.dma_semaphore, #tpu.memory_space<semaphore_mem>>
        %dma_start3A = tpu.memref_slice %arg10[%run_scoped3A_122, %mul3A_121] : memref<16x10240xf32, #tpu.memory_space<vmem_shared>> -> memref<1x640xf32, #tpu.memory_space<vmem_shared>>
        %dma_start3A_169 = tpu.memref_squeeze %dma_start3A : memref<1x640xf32, #tpu.memory_space<vmem_shared>> -> memref<640xf32, #tpu.memory_space<vmem_shared>>
        %dma_start3A_170 = tpu.memref_slice %arg10[%run_scoped3A_122, %mul3A_121] : memref<16x10240xf32, #tpu.memory_space<vmem_shared>> -> memref<1x640xf32, #tpu.memory_space<vmem_shared>>
        %dma_start3A_171 = tpu.memref_squeeze %dma_start3A_170 : memref<1x640xf32, #tpu.memory_space<vmem_shared>> -> memref<640xf32, #tpu.memory_space<vmem_shared>>
        tpu.enqueue_dma source(%dma_start3A_171 : memref<640xf32, #tpu.memory_space<vmem_shared>>) target(%arg7 : memref<640xf32, #tpu.memory_space<vmem>>) target_semaphore(%run_scoped3A_168 : memref<!tpu.dma_semaphore, #tpu.memory_space<semaphore_mem>>)
        %dma_wait3A = tpu.memref_slice %arg10[%run_scoped3A_122, %mul3A_121] : memref<16x10240xf32, #tpu.memory_space<vmem_shared>> -> memref<1x640xf32, #tpu.memory_space<vmem_shared>>
        %dma_wait3A_172 = tpu.memref_squeeze %dma_wait3A : memref<1x640xf32, #tpu.memory_space<vmem_shared>> -> memref<640xf32, #tpu.memory_space<vmem_shared>>
        %dma_wait3A_173 = tpu.memref_slice %arg10[%run_scoped3A_122, %mul3A_121] : memref<16x10240xf32, #tpu.memory_space<vmem_shared>> -> memref<1x640xf32, #tpu.memory_space<vmem_shared>>
        %dma_wait3A_174 = tpu.memref_squeeze %dma_wait3A_173 : memref<1x640xf32, #tpu.memory_space<vmem_shared>> -> memref<640xf32, #tpu.memory_space<vmem_shared>>
        tpu.wait_dma2 semaphore(%run_scoped3A_168 : memref<!tpu.dma_semaphore, #tpu.memory_space<semaphore_mem>>) src(%dma_wait3A_174 : memref<640xf32, #tpu.memory_space<vmem_shared>>) dst(%arg7 : memref<640xf32, #tpu.memory_space<vmem>>)
        tpu.yield
      }) : () -> ()
      %scan3A_123 = arith.constant 0 : i32
      %scan3A_124 = arith.constant 0 : i32
      %scan3A_125 = arith.constant 40 : i32
      %scan3A_126 = arith.addi %scan3A_124, %scan3A_125 : i32
      %scan3A_127 = arith.constant 1 : i32
      scf.for %scan3A_168 = %scan3A_124 to %scan3A_126 step %scan3A_127  : i32 {
        %mul3A_169 = arith.constant 16 : i32
        %mul3A_170 = arith.muli %scan3A_168, %mul3A_169 : i32
        %get3A = arith.index_cast %mul3A_170 : i32 to index
        %get3A_171 = tpu.vector_load %arg6[%get3A] {strides = array<i32>} : memref<640xf32, #tpu.memory_space<vmem>>, vector<16xf32>,
        %get3A_172 = arith.index_cast %mul3A_170 : i32 to index
        %get3A_173 = tpu.vector_load %arg7[%get3A_172] {strides = array<i32>} : memref<640xf32, #tpu.memory_space<vmem>>, vector<16xf32>,
        %add3A = arith.addf %get3A_171, %get3A_173 : vector<16xf32>
        %swap3A = arith.index_cast %mul3A_170 : i32 to index
        %swap3A_174 = tpu.vector_load %arg6[%swap3A] {strides = array<i32>} : memref<640xf32, #tpu.memory_space<vmem>>, vector<16xf32>,
        tpu.vector_store %arg6[%swap3A], %add3A {strides = array<i32>} : memref<640xf32, #tpu.memory_space<vmem>>, vector<16xf32>,
      }
      %scan3A_128 = arith.constant 40 : i32
      %mul3A_129 = arith.constant 640 : i32
      %mul3A_130 = arith.muli %arg1, %mul3A_129 : i32
      %run_scoped3A_131 = arith.constant 13 : i32
      "tpu.region"() ({
        %run_scoped3A_168 = tpu.sem_alloc : memref<!tpu.dma_semaphore, #tpu.memory_space<semaphore_mem>>
        %dma_start3A = tpu.memref_slice %arg10[%run_scoped3A_131, %mul3A_130] : memref<16x10240xf32, #tpu.memory_space<vmem_shared>> -> memref<1x640xf32, #tpu.memory_space<vmem_shared>>
        %dma_start3A_169 = tpu.memref_squeeze %dma_start3A : memref<1x640xf32, #tpu.memory_space<vmem_shared>> -> memref<640xf32, #tpu.memory_space<vmem_shared>>
        %dma_start3A_170 = tpu.memref_slice %arg10[%run_scoped3A_131, %mul3A_130] : memref<16x10240xf32, #tpu.memory_space<vmem_shared>> -> memref<1x640xf32, #tpu.memory_space<vmem_shared>>
        %dma_start3A_171 = tpu.memref_squeeze %dma_start3A_170 : memref<1x640xf32, #tpu.memory_space<vmem_shared>> -> memref<640xf32, #tpu.memory_space<vmem_shared>>
        tpu.enqueue_dma source(%dma_start3A_171 : memref<640xf32, #tpu.memory_space<vmem_shared>>) target(%arg7 : memref<640xf32, #tpu.memory_space<vmem>>) target_semaphore(%run_scoped3A_168 : memref<!tpu.dma_semaphore, #tpu.memory_space<semaphore_mem>>)
        %dma_wait3A = tpu.memref_slice %arg10[%run_scoped3A_131, %mul3A_130] : memref<16x10240xf32, #tpu.memory_space<vmem_shared>> -> memref<1x640xf32, #tpu.memory_space<vmem_shared>>
        %dma_wait3A_172 = tpu.memref_squeeze %dma_wait3A : memref<1x640xf32, #tpu.memory_space<vmem_shared>> -> memref<640xf32, #tpu.memory_space<vmem_shared>>
        %dma_wait3A_173 = tpu.memref_slice %arg10[%run_scoped3A_131, %mul3A_130] : memref<16x10240xf32, #tpu.memory_space<vmem_shared>> -> memref<1x640xf32, #tpu.memory_space<vmem_shared>>
        %dma_wait3A_174 = tpu.memref_squeeze %dma_wait3A_173 : memref<1x640xf32, #tpu.memory_space<vmem_shared>> -> memref<640xf32, #tpu.memory_space<vmem_shared>>
        tpu.wait_dma2 semaphore(%run_scoped3A_168 : memref<!tpu.dma_semaphore, #tpu.memory_space<semaphore_mem>>) src(%dma_wait3A_174 : memref<640xf32, #tpu.memory_space<vmem_shared>>) dst(%arg7 : memref<640xf32, #tpu.memory_space<vmem>>)
        tpu.yield
      }) : () -> ()
      %scan3A_132 = arith.constant 0 : i32
      %scan3A_133 = arith.constant 0 : i32
      %scan3A_134 = arith.constant 40 : i32
      %scan3A_135 = arith.addi %scan3A_133, %scan3A_134 : i32
      %scan3A_136 = arith.constant 1 : i32
      scf.for %scan3A_168 = %scan3A_133 to %scan3A_135 step %scan3A_136  : i32 {
        %mul3A_169 = arith.constant 16 : i32
        %mul3A_170 = arith.muli %scan3A_168, %mul3A_169 : i32
        %get3A = arith.index_cast %mul3A_170 : i32 to index
        %get3A_171 = tpu.vector_load %arg6[%get3A] {strides = array<i32>} : memref<640xf32, #tpu.memory_space<vmem>>, vector<16xf32>,
        %get3A_172 = arith.index_cast %mul3A_170 : i32 to index
        %get3A_173 = tpu.vector_load %arg7[%get3A_172] {strides = array<i32>} : memref<640xf32, #tpu.memory_space<vmem>>, vector<16xf32>,
        %add3A = arith.addf %get3A_171, %get3A_173 : vector<16xf32>
        %swap3A = arith.index_cast %mul3A_170 : i32 to index
        %swap3A_174 = tpu.vector_load %arg6[%swap3A] {strides = array<i32>} : memref<640xf32, #tpu.memory_space<vmem>>, vector<16xf32>,
        tpu.vector_store %arg6[%swap3A], %add3A {strides = array<i32>} : memref<640xf32, #tpu.memory_space<vmem>>, vector<16xf32>,
      }
      %scan3A_137 = arith.constant 40 : i32
      %mul3A_138 = arith.constant 640 : i32
      %mul3A_139 = arith.muli %arg1, %mul3A_138 : i32
      %run_scoped3A_140 = arith.constant 14 : i32
      "tpu.region"() ({
        %run_scoped3A_168 = tpu.sem_alloc : memref<!tpu.dma_semaphore, #tpu.memory_space<semaphore_mem>>
        %dma_start3A = tpu.memref_slice %arg10[%run_scoped3A_140, %mul3A_139] : memref<16x10240xf32, #tpu.memory_space<vmem_shared>> -> memref<1x640xf32, #tpu.memory_space<vmem_shared>>
        %dma_start3A_169 = tpu.memref_squeeze %dma_start3A : memref<1x640xf32, #tpu.memory_space<vmem_shared>> -> memref<640xf32, #tpu.memory_space<vmem_shared>>
        %dma_start3A_170 = tpu.memref_slice %arg10[%run_scoped3A_140, %mul3A_139] : memref<16x10240xf32, #tpu.memory_space<vmem_shared>> -> memref<1x640xf32, #tpu.memory_space<vmem_shared>>
        %dma_start3A_171 = tpu.memref_squeeze %dma_start3A_170 : memref<1x640xf32, #tpu.memory_space<vmem_shared>> -> memref<640xf32, #tpu.memory_space<vmem_shared>>
        tpu.enqueue_dma source(%dma_start3A_171 : memref<640xf32, #tpu.memory_space<vmem_shared>>) target(%arg7 : memref<640xf32, #tpu.memory_space<vmem>>) target_semaphore(%run_scoped3A_168 : memref<!tpu.dma_semaphore, #tpu.memory_space<semaphore_mem>>)
        %dma_wait3A = tpu.memref_slice %arg10[%run_scoped3A_140, %mul3A_139] : memref<16x10240xf32, #tpu.memory_space<vmem_shared>> -> memref<1x640xf32, #tpu.memory_space<vmem_shared>>
        %dma_wait3A_172 = tpu.memref_squeeze %dma_wait3A : memref<1x640xf32, #tpu.memory_space<vmem_shared>> -> memref<640xf32, #tpu.memory_space<vmem_shared>>
        %dma_wait3A_173 = tpu.memref_slice %arg10[%run_scoped3A_140, %mul3A_139] : memref<16x10240xf32, #tpu.memory_space<vmem_shared>> -> memref<1x640xf32, #tpu.memory_space<vmem_shared>>
        %dma_wait3A_174 = tpu.memref_squeeze %dma_wait3A_173 : memref<1x640xf32, #tpu.memory_space<vmem_shared>> -> memref<640xf32, #tpu.memory_space<vmem_shared>>
        tpu.wait_dma2 semaphore(%run_scoped3A_168 : memref<!tpu.dma_semaphore, #tpu.memory_space<semaphore_mem>>) src(%dma_wait3A_174 : memref<640xf32, #tpu.memory_space<vmem_shared>>) dst(%arg7 : memref<640xf32, #tpu.memory_space<vmem>>)
        tpu.yield
      }) : () -> ()
      %scan3A_141 = arith.constant 0 : i32
      %scan3A_142 = arith.constant 0 : i32
      %scan3A_143 = arith.constant 40 : i32
      %scan3A_144 = arith.addi %scan3A_142, %scan3A_143 : i32
      %scan3A_145 = arith.constant 1 : i32
      scf.for %scan3A_168 = %scan3A_142 to %scan3A_144 step %scan3A_145  : i32 {
        %mul3A_169 = arith.constant 16 : i32
        %mul3A_170 = arith.muli %scan3A_168, %mul3A_169 : i32
        %get3A = arith.index_cast %mul3A_170 : i32 to index
        %get3A_171 = tpu.vector_load %arg6[%get3A] {strides = array<i32>} : memref<640xf32, #tpu.memory_space<vmem>>, vector<16xf32>,
        %get3A_172 = arith.index_cast %mul3A_170 : i32 to index
        %get3A_173 = tpu.vector_load %arg7[%get3A_172] {strides = array<i32>} : memref<640xf32, #tpu.memory_space<vmem>>, vector<16xf32>,
        %add3A = arith.addf %get3A_171, %get3A_173 : vector<16xf32>
        %swap3A = arith.index_cast %mul3A_170 : i32 to index
        %swap3A_174 = tpu.vector_load %arg6[%swap3A] {strides = array<i32>} : memref<640xf32, #tpu.memory_space<vmem>>, vector<16xf32>,
        tpu.vector_store %arg6[%swap3A], %add3A {strides = array<i32>} : memref<640xf32, #tpu.memory_space<vmem>>, vector<16xf32>,
      }
      %scan3A_146 = arith.constant 40 : i32
      %mul3A_147 = arith.constant 640 : i32
      %mul3A_148 = arith.muli %arg1, %mul3A_147 : i32
      %run_scoped3A_149 = arith.constant 15 : i32
      "tpu.region"() ({
        %run_scoped3A_168 = tpu.sem_alloc : memref<!tpu.dma_semaphore, #tpu.memory_space<semaphore_mem>>
        %dma_start3A = tpu.memref_slice %arg10[%run_scoped3A_149, %mul3A_148] : memref<16x10240xf32, #tpu.memory_space<vmem_shared>> -> memref<1x640xf32, #tpu.memory_space<vmem_shared>>
        %dma_start3A_169 = tpu.memref_squeeze %dma_start3A : memref<1x640xf32, #tpu.memory_space<vmem_shared>> -> memref<640xf32, #tpu.memory_space<vmem_shared>>
        %dma_start3A_170 = tpu.memref_slice %arg10[%run_scoped3A_149, %mul3A_148] : memref<16x10240xf32, #tpu.memory_space<vmem_shared>> -> memref<1x640xf32, #tpu.memory_space<vmem_shared>>
        %dma_start3A_171 = tpu.memref_squeeze %dma_start3A_170 : memref<1x640xf32, #tpu.memory_space<vmem_shared>> -> memref<640xf32, #tpu.memory_space<vmem_shared>>
        tpu.enqueue_dma source(%dma_start3A_171 : memref<640xf32, #tpu.memory_space<vmem_shared>>) target(%arg7 : memref<640xf32, #tpu.memory_space<vmem>>) target_semaphore(%run_scoped3A_168 : memref<!tpu.dma_semaphore, #tpu.memory_space<semaphore_mem>>)
        %dma_wait3A = tpu.memref_slice %arg10[%run_scoped3A_149, %mul3A_148] : memref<16x10240xf32, #tpu.memory_space<vmem_shared>> -> memref<1x640xf32, #tpu.memory_space<vmem_shared>>
        %dma_wait3A_172 = tpu.memref_squeeze %dma_wait3A : memref<1x640xf32, #tpu.memory_space<vmem_shared>> -> memref<640xf32, #tpu.memory_space<vmem_shared>>
        %dma_wait3A_173 = tpu.memref_slice %arg10[%run_scoped3A_149, %mul3A_148] : memref<16x10240xf32, #tpu.memory_space<vmem_shared>> -> memref<1x640xf32, #tpu.memory_space<vmem_shared>>
        %dma_wait3A_174 = tpu.memref_squeeze %dma_wait3A_173 : memref<1x640xf32, #tpu.memory_space<vmem_shared>> -> memref<640xf32, #tpu.memory_space<vmem_shared>>
        tpu.wait_dma2 semaphore(%run_scoped3A_168 : memref<!tpu.dma_semaphore, #tpu.memory_space<semaphore_mem>>) src(%dma_wait3A_174 : memref<640xf32, #tpu.memory_space<vmem_shared>>) dst(%arg7 : memref<640xf32, #tpu.memory_space<vmem>>)
        tpu.yield
      }) : () -> ()
      %scan3A_150 = arith.constant 0 : i32
      %scan3A_151 = arith.constant 0 : i32
      %scan3A_152 = arith.constant 40 : i32
      %scan3A_153 = arith.addi %scan3A_151, %scan3A_152 : i32
      %scan3A_154 = arith.constant 1 : i32
      scf.for %scan3A_168 = %scan3A_151 to %scan3A_153 step %scan3A_154  : i32 {
        %mul3A_169 = arith.constant 16 : i32
        %mul3A_170 = arith.muli %scan3A_168, %mul3A_169 : i32
        %get3A = arith.index_cast %mul3A_170 : i32 to index
        %get3A_171 = tpu.vector_load %arg6[%get3A] {strides = array<i32>} : memref<640xf32, #tpu.memory_space<vmem>>, vector<16xf32>,
        %get3A_172 = arith.index_cast %mul3A_170 : i32 to index
        %get3A_173 = tpu.vector_load %arg7[%get3A_172] {strides = array<i32>} : memref<640xf32, #tpu.memory_space<vmem>>, vector<16xf32>,
        %add3A = arith.addf %get3A_171, %get3A_173 : vector<16xf32>
        %swap3A = arith.index_cast %mul3A_170 : i32 to index
        %swap3A_174 = tpu.vector_load %arg6[%swap3A] {strides = array<i32>} : memref<640xf32, #tpu.memory_space<vmem>>, vector<16xf32>,
        tpu.vector_store %arg6[%swap3A], %add3A {strides = array<i32>} : memref<640xf32, #tpu.memory_space<vmem>>, vector<16xf32>,
      }
      %scan3A_155 = arith.constant 40 : i32
      %scan3A_156 = arith.constant 0 : i32
      %scan3A_157 = arith.constant 0 : i32
      %scan3A_158 = arith.constant 40 : i32
      %scan3A_159 = arith.addi %scan3A_157, %scan3A_158 : i32
      %scan3A_160 = arith.constant 1 : i32
      scf.for %scan3A_168 = %scan3A_157 to %scan3A_159 step %scan3A_160  : i32 {
        %mul3A_169 = arith.constant 16 : i32
        %mul3A_170 = arith.muli %scan3A_168, %mul3A_169 : i32
        %get3A = arith.index_cast %mul3A_170 : i32 to index
        %get3A_171 = tpu.vector_load %arg6[%get3A] {strides = array<i32>} : memref<640xf32, #tpu.memory_space<vmem>>, vector<16xf32>,
        %add3A = arith.constant 1.000000e+00 : f32
        %add3A_172 = vector.broadcast %add3A : f32 to vector<16xf32>
        %add3A_173 = arith.addf %get3A_171, %add3A_172 : vector<16xf32>
        %bitcast3A = vector.bitcast %add3A_173 : vector<16xf32> to vector<16xi32>
        %shift_right_logical3A = arith.constant 1 : i32
        %shift_right_logical3A_174 = vector.broadcast %shift_right_logical3A : i32 to vector<16xi32>
        %shift_right_logical3A_175 = arith.shrui %bitcast3A, %shift_right_logical3A_174 : vector<16xi32>
        %sub3A = arith.constant 1597463007 : i32
        %sub3A_176 = vector.broadcast %sub3A : i32 to vector<16xi32>
        %sub3A_177 = arith.subi %sub3A_176, %shift_right_logical3A_175 : vector<16xi32>
        %bitcast3A_178 = vector.bitcast %sub3A_177 : vector<16xi32> to vector<16xf32>
        %mul3A_179 = arith.constant 5.000000e-01 : f32
        %mul3A_180 = vector.broadcast %mul3A_179 : f32 to vector<16xf32>
        %mul3A_181 = arith.mulf %mul3A_180, %add3A_173 : vector<16xf32>
        %mul3A_182 = arith.mulf %mul3A_181, %bitcast3A_178 : vector<16xf32>
        %mul3A_183 = arith.mulf %mul3A_182, %bitcast3A_178 : vector<16xf32>
        %sub3A_184 = arith.constant 1.500000e+00 : f32
        %sub3A_185 = vector.broadcast %sub3A_184 : f32 to vector<16xf32>
        %sub3A_186 = arith.subf %sub3A_185, %mul3A_183 : vector<16xf32>
        %mul3A_187 = arith.mulf %bitcast3A_178, %sub3A_186 : vector<16xf32>
        %mul3A_188 = arith.constant 5.000000e-01 : f32
        %mul3A_189 = vector.broadcast %mul3A_188 : f32 to vector<16xf32>
        %mul3A_190 = arith.mulf %mul3A_189, %add3A_173 : vector<16xf32>
        %mul3A_191 = arith.mulf %mul3A_190, %mul3A_187 : vector<16xf32>
        %mul3A_192 = arith.mulf %mul3A_191, %mul3A_187 : vector<16xf32>
        %sub3A_193 = arith.constant 1.500000e+00 : f32
        %sub3A_194 = vector.broadcast %sub3A_193 : f32 to vector<16xf32>
        %sub3A_195 = arith.subf %sub3A_194, %mul3A_192 : vector<16xf32>
        %mul3A_196 = arith.mulf %mul3A_187, %sub3A_195 : vector<16xf32>
        %mul3A_197 = arith.constant 5.000000e-01 : f32
        %mul3A_198 = vector.broadcast %mul3A_197 : f32 to vector<16xf32>
        %mul3A_199 = arith.mulf %mul3A_198, %add3A_173 : vector<16xf32>
        %mul3A_200 = arith.mulf %mul3A_199, %mul3A_196 : vector<16xf32>
        %mul3A_201 = arith.mulf %mul3A_200, %mul3A_196 : vector<16xf32>
        %sub3A_202 = arith.constant 1.500000e+00 : f32
        %sub3A_203 = vector.broadcast %sub3A_202 : f32 to vector<16xf32>
        %sub3A_204 = arith.subf %sub3A_203, %mul3A_201 : vector<16xf32>
        %mul3A_205 = arith.mulf %mul3A_196, %sub3A_204 : vector<16xf32>
        %swap3A = arith.index_cast %mul3A_170 : i32 to index
        %swap3A_206 = tpu.vector_load %arg8[%swap3A] {strides = array<i32>} : memref<640xf32, #tpu.memory_space<vmem>>, vector<16xf32>,
        tpu.vector_store %arg8[%swap3A], %mul3A_205 {strides = array<i32>} : memref<640xf32, #tpu.memory_space<vmem>>, vector<16xf32>,
      }
      %scan3A_161 = arith.constant 40 : i32
      %scan3A_162 = arith.constant 0 : i32
      %scan3A_163 = arith.constant 0 : i32
      %scan3A_164 = arith.constant 5 : i32
      %scan3A_165 = arith.addi %scan3A_163, %scan3A_164 : i32
      %scan3A_166 = arith.constant 1 : i32
      scf.for %scan3A_168 = %scan3A_163 to %scan3A_165 step %scan3A_166  : i32 {
        %scan3A_169 = arith.constant 0 : i32
        %scan3A_170 = arith.constant 0 : i32
        %scan3A_171 = arith.constant 128 : i32
        %scan3A_172 = arith.addi %scan3A_170, %scan3A_171 : i32
        %scan3A_173 = arith.constant 1 : i32
        scf.for %scan3A_181 = %scan3A_170 to %scan3A_172 step %scan3A_173  : i32 {
          %mul3A_182 = arith.constant 128 : i32
          %mul3A_183 = arith.muli %scan3A_168, %mul3A_182 : i32
          %add3A_184 = arith.addi %mul3A_183, %scan3A_181 : i32
          %broadcast_in_dim3A_185 = vector.broadcast %add3A_184 : i32 to vector<16xi32>
          %gather3A = tpu.vector_load_idx %arg8[%broadcast_in_dim3A_185] : memref<640xf32, #tpu.memory_space<vmem>>[vector<16xi32>], vector<16xf32>,
          %mul3A_186 = arith.constant 128 : i32
          %mul3A_187 = arith.muli %scan3A_181, %mul3A_186 : i32
          %add3A_188 = arith.constant 0 : i32
          %add3A_189 = arith.addi %mul3A_187, %add3A_188 : i32
          %swap3A = arith.index_cast %add3A_189 : i32 to index
          %swap3A_190 = tpu.vector_load %arg9[%swap3A] {strides = array<i32>} : memref<16384xf32, #tpu.memory_space<vmem>>, vector<16xf32>,
          tpu.vector_store %arg9[%swap3A], %gather3A {strides = array<i32>} : memref<16384xf32, #tpu.memory_space<vmem>>, vector<16xf32>,
          %mul3A_191 = arith.constant 128 : i32
          %mul3A_192 = arith.muli %scan3A_181, %mul3A_191 : i32
          %add3A_193 = arith.constant 16 : i32
          %add3A_194 = arith.addi %mul3A_192, %add3A_193 : i32
          %swap3A_195 = arith.index_cast %add3A_194 : i32 to index
          %swap3A_196 = tpu.vector_load %arg9[%swap3A_195] {strides = array<i32>} : memref<16384xf32, #tpu.memory_space<vmem>>, vector<16xf32>,
          tpu.vector_store %arg9[%swap3A_195], %gather3A {strides = array<i32>} : memref<16384xf32, #tpu.memory_space<vmem>>, vector<16xf32>,
          %mul3A_197 = arith.constant 128 : i32
          %mul3A_198 = arith.muli %scan3A_181, %mul3A_197 : i32
          %add3A_199 = arith.constant 32 : i32
          %add3A_200 = arith.addi %mul3A_198, %add3A_199 : i32
          %swap3A_201 = arith.index_cast %add3A_200 : i32 to index
          %swap3A_202 = tpu.vector_load %arg9[%swap3A_201] {strides = array<i32>} : memref<16384xf32, #tpu.memory_space<vmem>>, vector<16xf32>,
          tpu.vector_store %arg9[%swap3A_201], %gather3A {strides = array<i32>} : memref<16384xf32, #tpu.memory_space<vmem>>, vector<16xf32>,
          %mul3A_203 = arith.constant 128 : i32
          %mul3A_204 = arith.muli %scan3A_181, %mul3A_203 : i32
          %add3A_205 = arith.constant 48 : i32
          %add3A_206 = arith.addi %mul3A_204, %add3A_205 : i32
          %swap3A_207 = arith.index_cast %add3A_206 : i32 to index
          %swap3A_208 = tpu.vector_load %arg9[%swap3A_207] {strides = array<i32>} : memref<16384xf32, #tpu.memory_space<vmem>>, vector<16xf32>,
          tpu.vector_store %arg9[%swap3A_207], %gather3A {strides = array<i32>} : memref<16384xf32, #tpu.memory_space<vmem>>, vector<16xf32>,
          %mul3A_209 = arith.constant 128 : i32
          %mul3A_210 = arith.muli %scan3A_181, %mul3A_209 : i32
          %add3A_211 = arith.constant 64 : i32
          %add3A_212 = arith.addi %mul3A_210, %add3A_211 : i32
          %swap3A_213 = arith.index_cast %add3A_212 : i32 to index
          %swap3A_214 = tpu.vector_load %arg9[%swap3A_213] {strides = array<i32>} : memref<16384xf32, #tpu.memory_space<vmem>>, vector<16xf32>,
          tpu.vector_store %arg9[%swap3A_213], %gather3A {strides = array<i32>} : memref<16384xf32, #tpu.memory_space<vmem>>, vector<16xf32>,
          %mul3A_215 = arith.constant 128 : i32
          %mul3A_216 = arith.muli %scan3A_181, %mul3A_215 : i32
          %add3A_217 = arith.constant 80 : i32
          %add3A_218 = arith.addi %mul3A_216, %add3A_217 : i32
          %swap3A_219 = arith.index_cast %add3A_218 : i32 to index
          %swap3A_220 = tpu.vector_load %arg9[%swap3A_219] {strides = array<i32>} : memref<16384xf32, #tpu.memory_space<vmem>>, vector<16xf32>,
          tpu.vector_store %arg9[%swap3A_219], %gather3A {strides = array<i32>} : memref<16384xf32, #tpu.memory_space<vmem>>, vector<16xf32>,
          %mul3A_221 = arith.constant 128 : i32
          %mul3A_222 = arith.muli %scan3A_181, %mul3A_221 : i32
          %add3A_223 = arith.constant 96 : i32
          %add3A_224 = arith.addi %mul3A_222, %add3A_223 : i32
          %swap3A_225 = arith.index_cast %add3A_224 : i32 to index
          %swap3A_226 = tpu.vector_load %arg9[%swap3A_225] {strides = array<i32>} : memref<16384xf32, #tpu.memory_space<vmem>>, vector<16xf32>,
          tpu.vector_store %arg9[%swap3A_225], %gather3A {strides = array<i32>} : memref<16384xf32, #tpu.memory_space<vmem>>, vector<16xf32>,
          %mul3A_227 = arith.constant 128 : i32
          %mul3A_228 = arith.muli %scan3A_181, %mul3A_227 : i32
          %add3A_229 = arith.constant 112 : i32
          %add3A_230 = arith.addi %mul3A_228, %add3A_229 : i32
          %swap3A_231 = arith.index_cast %add3A_230 : i32 to index
          %swap3A_232 = tpu.vector_load %arg9[%swap3A_231] {strides = array<i32>} : memref<16384xf32, #tpu.memory_space<vmem>>, vector<16xf32>,
          tpu.vector_store %arg9[%swap3A_231], %gather3A {strides = array<i32>} : memref<16384xf32, #tpu.memory_space<vmem>>, vector<16xf32>,
        }
        %scan3A_174 = arith.constant 128 : i32
        %mul3A_175 = arith.constant 640 : i32
        %mul3A_176 = arith.muli %arg1, %mul3A_175 : i32
        %mul3A_177 = arith.constant 128 : i32
        %mul3A_178 = arith.muli %scan3A_168, %mul3A_177 : i32
        %add3A = arith.addi %mul3A_176, %mul3A_178 : i32
        %mul3A_179 = arith.constant 128 : i32
        %mul3A_180 = arith.muli %add3A, %mul3A_179 : i32
        "tpu.region"() ({
          %run_scoped3A_181 = tpu.sem_alloc : memref<!tpu.dma_semaphore, #tpu.memory_space<semaphore_mem>>
          %dma_start3A = tpu.memref_slice %arg3[%mul3A_180] : memref<1310720xf32, #tpu.memory_space<hbm>> -> memref<16384xf32, #tpu.memory_space<hbm>>
          %dma_start3A_182 = tpu.memref_slice %arg3[%mul3A_180] : memref<1310720xf32, #tpu.memory_space<hbm>> -> memref<16384xf32, #tpu.memory_space<hbm>>
          tpu.enqueue_dma source(%arg9 : memref<16384xf32, #tpu.memory_space<vmem>>) target(%dma_start3A_182 : memref<16384xf32, #tpu.memory_space<hbm>>) target_semaphore(%run_scoped3A_181 : memref<!tpu.dma_semaphore, #tpu.memory_space<semaphore_mem>>)
          %dma_wait3A = tpu.memref_slice %arg3[%mul3A_180] : memref<1310720xf32, #tpu.memory_space<hbm>> -> memref<16384xf32, #tpu.memory_space<hbm>>
          %dma_wait3A_183 = tpu.memref_slice %arg3[%mul3A_180] : memref<1310720xf32, #tpu.memory_space<hbm>> -> memref<16384xf32, #tpu.memory_space<hbm>>
          tpu.wait_dma2 semaphore(%run_scoped3A_181 : memref<!tpu.dma_semaphore, #tpu.memory_space<semaphore_mem>>) src(%arg9 : memref<16384xf32, #tpu.memory_space<vmem>>) dst(%dma_wait3A_183 : memref<16384xf32, #tpu.memory_space<hbm>>)
          tpu.yield
        }) : () -> ()
      }
      %scan3A_167 = arith.constant 5 : i32
    } else {
    }
    return
  }
}

#map = affine_map<(d0, d1) -> (0, 0)>
#map1 = affine_map<(d0, d1) -> (0, 0, 0)>
module attributes {stable_mosaic.version = 14 : i64} {
  func.func @_edge_sc(%arg0: i32, %arg1: i32, %arg2: memref<2560x128xi32, #tpu.memory_space<hbm>>, %arg3: memref<2560x128xi32, #tpu.memory_space<hbm>>, %arg4: memref<10000x128xf32, #tpu.memory_space<hbm>>, %arg5: memref<2x10240x128xf32, #tpu.memory_space<hbm>>, %arg6: memref<80x128xi32, #tpu.memory_space<vmem>>, %arg7: memref<80x128xi32, #tpu.memory_space<vmem>>, %arg8: memref<128x128xf32, #tpu.memory_space<vmem>>, %arg9: memref<10240x128xf32, #tpu.memory_space<vmem_shared>>, %arg10: memref<!tpu.dma_semaphore, #tpu.memory_space<semaphore_mem>>) attributes {dimension_semantics = [#tpu.dimension_semantics<core_parallel>, #tpu.dimension_semantics<subcore_parallel>], iteration_bounds = array<i64: 2, 16>, scalar_prefetch = 0 : i64, scratch_operands = 5 : i64, tpu.core_type = #tpu.core_type<sc_vector_subcore>, window_params = [{transform_indices = #map}, {transform_indices = #map}, {transform_indices = #map}, {transform_indices = #map1}]} {
    %broadcast_in_dim3A = arith.constant 0.000000e+00 : f32
    %broadcast_in_dim3A_0 = vector.broadcast %broadcast_in_dim3A : f32 to vector<16xf32>
    %scan3A = arith.constant 0 : i32
    %scan3A_1 = arith.constant 0 : i32
    %scan3A_2 = arith.constant 128 : i32
    %scan3A_3 = arith.addi %scan3A_1, %scan3A_2 : i32
    %scan3A_4 = arith.constant 1 : i32
    scf.for %scan3A_26 = %scan3A_1 to %scan3A_3 step %scan3A_4  : i32 {
      %swap3A = arith.index_cast %scan3A_26 : i32 to index
      %swap3A_27 = arith.constant 0 : index
      %swap3A_28 = tpu.vector_load %arg8[%swap3A, %swap3A_27] {strides = array<i32>} : memref<128x128xf32, #tpu.memory_space<vmem>>, vector<1x16xf32>,
      %swap3A_29 = vector.shape_cast %swap3A_28 : vector<1x16xf32> to vector<16xf32>
      %swap3A_30 = vector.shape_cast %broadcast_in_dim3A_0 : vector<16xf32> to vector<1x16xf32>
      tpu.vector_store %arg8[%swap3A, %swap3A_27], %swap3A_30 {strides = array<i32>} : memref<128x128xf32, #tpu.memory_space<vmem>>, vector<1x16xf32>,
      %swap3A_31 = arith.index_cast %scan3A_26 : i32 to index
      %swap3A_32 = arith.constant 16 : index
      %swap3A_33 = tpu.vector_load %arg8[%swap3A_31, %swap3A_32] {strides = array<i32>} : memref<128x128xf32, #tpu.memory_space<vmem>>, vector<1x16xf32>,
      %swap3A_34 = vector.shape_cast %swap3A_33 : vector<1x16xf32> to vector<16xf32>
      %swap3A_35 = vector.shape_cast %broadcast_in_dim3A_0 : vector<16xf32> to vector<1x16xf32>
      tpu.vector_store %arg8[%swap3A_31, %swap3A_32], %swap3A_35 {strides = array<i32>} : memref<128x128xf32, #tpu.memory_space<vmem>>, vector<1x16xf32>,
      %swap3A_36 = arith.index_cast %scan3A_26 : i32 to index
      %swap3A_37 = arith.constant 32 : index
      %swap3A_38 = tpu.vector_load %arg8[%swap3A_36, %swap3A_37] {strides = array<i32>} : memref<128x128xf32, #tpu.memory_space<vmem>>, vector<1x16xf32>,
      %swap3A_39 = vector.shape_cast %swap3A_38 : vector<1x16xf32> to vector<16xf32>
      %swap3A_40 = vector.shape_cast %broadcast_in_dim3A_0 : vector<16xf32> to vector<1x16xf32>
      tpu.vector_store %arg8[%swap3A_36, %swap3A_37], %swap3A_40 {strides = array<i32>} : memref<128x128xf32, #tpu.memory_space<vmem>>, vector<1x16xf32>,
      %swap3A_41 = arith.index_cast %scan3A_26 : i32 to index
      %swap3A_42 = arith.constant 48 : index
      %swap3A_43 = tpu.vector_load %arg8[%swap3A_41, %swap3A_42] {strides = array<i32>} : memref<128x128xf32, #tpu.memory_space<vmem>>, vector<1x16xf32>,
      %swap3A_44 = vector.shape_cast %swap3A_43 : vector<1x16xf32> to vector<16xf32>
      %swap3A_45 = vector.shape_cast %broadcast_in_dim3A_0 : vector<16xf32> to vector<1x16xf32>
      tpu.vector_store %arg8[%swap3A_41, %swap3A_42], %swap3A_45 {strides = array<i32>} : memref<128x128xf32, #tpu.memory_space<vmem>>, vector<1x16xf32>,
      %swap3A_46 = arith.index_cast %scan3A_26 : i32 to index
      %swap3A_47 = arith.constant 64 : index
      %swap3A_48 = tpu.vector_load %arg8[%swap3A_46, %swap3A_47] {strides = array<i32>} : memref<128x128xf32, #tpu.memory_space<vmem>>, vector<1x16xf32>,
      %swap3A_49 = vector.shape_cast %swap3A_48 : vector<1x16xf32> to vector<16xf32>
      %swap3A_50 = vector.shape_cast %broadcast_in_dim3A_0 : vector<16xf32> to vector<1x16xf32>
      tpu.vector_store %arg8[%swap3A_46, %swap3A_47], %swap3A_50 {strides = array<i32>} : memref<128x128xf32, #tpu.memory_space<vmem>>, vector<1x16xf32>,
      %swap3A_51 = arith.index_cast %scan3A_26 : i32 to index
      %swap3A_52 = arith.constant 80 : index
      %swap3A_53 = tpu.vector_load %arg8[%swap3A_51, %swap3A_52] {strides = array<i32>} : memref<128x128xf32, #tpu.memory_space<vmem>>, vector<1x16xf32>,
      %swap3A_54 = vector.shape_cast %swap3A_53 : vector<1x16xf32> to vector<16xf32>
      %swap3A_55 = vector.shape_cast %broadcast_in_dim3A_0 : vector<16xf32> to vector<1x16xf32>
      tpu.vector_store %arg8[%swap3A_51, %swap3A_52], %swap3A_55 {strides = array<i32>} : memref<128x128xf32, #tpu.memory_space<vmem>>, vector<1x16xf32>,
      %swap3A_56 = arith.index_cast %scan3A_26 : i32 to index
      %swap3A_57 = arith.constant 96 : index
      %swap3A_58 = tpu.vector_load %arg8[%swap3A_56, %swap3A_57] {strides = array<i32>} : memref<128x128xf32, #tpu.memory_space<vmem>>, vector<1x16xf32>,
      %swap3A_59 = vector.shape_cast %swap3A_58 : vector<1x16xf32> to vector<16xf32>
      %swap3A_60 = vector.shape_cast %broadcast_in_dim3A_0 : vector<16xf32> to vector<1x16xf32>
      tpu.vector_store %arg8[%swap3A_56, %swap3A_57], %swap3A_60 {strides = array<i32>} : memref<128x128xf32, #tpu.memory_space<vmem>>, vector<1x16xf32>,
      %swap3A_61 = arith.index_cast %scan3A_26 : i32 to index
      %swap3A_62 = arith.constant 112 : index
      %swap3A_63 = tpu.vector_load %arg8[%swap3A_61, %swap3A_62] {strides = array<i32>} : memref<128x128xf32, #tpu.memory_space<vmem>>, vector<1x16xf32>,
      %swap3A_64 = vector.shape_cast %swap3A_63 : vector<1x16xf32> to vector<16xf32>
      %swap3A_65 = vector.shape_cast %broadcast_in_dim3A_0 : vector<16xf32> to vector<1x16xf32>
      tpu.vector_store %arg8[%swap3A_61, %swap3A_62], %swap3A_65 {strides = array<i32>} : memref<128x128xf32, #tpu.memory_space<vmem>>, vector<1x16xf32>,
    }
    %scan3A_5 = arith.constant 128 : i32
    %scan3A_6 = arith.constant 0 : i32
    %scan3A_7 = arith.constant 0 : i32
    %scan3A_8 = arith.constant 5 : i32
    %scan3A_9 = arith.addi %scan3A_7, %scan3A_8 : i32
    %scan3A_10 = arith.constant 1 : i32
    scf.for %scan3A_26 = %scan3A_7 to %scan3A_9 step %scan3A_10  : i32 {
      %mul3A_27 = arith.constant 640 : i32
      %mul3A_28 = arith.muli %arg1, %mul3A_27 : i32
      %mul3A_29 = arith.constant 128 : i32
      %mul3A_30 = arith.muli %scan3A_26, %mul3A_29 : i32
      %add3A_31 = arith.addi %mul3A_28, %mul3A_30 : i32
      "tpu.region"() ({
        %run_scoped3A = tpu.sem_alloc : memref<!tpu.dma_semaphore, #tpu.memory_space<semaphore_mem>>
        %dma_start3A = arith.constant 0 : i32
        %dma_start3A_32 = tpu.memref_slice %arg9[%add3A_31, %dma_start3A] : memref<10240x128xf32, #tpu.memory_space<vmem_shared>> -> memref<128x128xf32, #tpu.memory_space<vmem_shared>>
        %dma_start3A_33 = arith.constant 0 : i32
        %dma_start3A_34 = tpu.memref_slice %arg9[%add3A_31, %dma_start3A_33] : memref<10240x128xf32, #tpu.memory_space<vmem_shared>> -> memref<128x128xf32, #tpu.memory_space<vmem_shared>>
        tpu.enqueue_dma source(%arg8 : memref<128x128xf32, #tpu.memory_space<vmem>>) target(%dma_start3A_34 : memref<128x128xf32, #tpu.memory_space<vmem_shared>>) target_semaphore(%run_scoped3A : memref<!tpu.dma_semaphore, #tpu.memory_space<semaphore_mem>>)
        %dma_wait3A = arith.constant 0 : i32
        %dma_wait3A_35 = tpu.memref_slice %arg9[%add3A_31, %dma_wait3A] : memref<10240x128xf32, #tpu.memory_space<vmem_shared>> -> memref<128x128xf32, #tpu.memory_space<vmem_shared>>
        %dma_wait3A_36 = arith.constant 0 : i32
        %dma_wait3A_37 = tpu.memref_slice %arg9[%add3A_31, %dma_wait3A_36] : memref<10240x128xf32, #tpu.memory_space<vmem_shared>> -> memref<128x128xf32, #tpu.memory_space<vmem_shared>>
        tpu.wait_dma2 semaphore(%run_scoped3A : memref<!tpu.dma_semaphore, #tpu.memory_space<semaphore_mem>>) src(%arg8 : memref<128x128xf32, #tpu.memory_space<vmem>>) dst(%dma_wait3A_37 : memref<128x128xf32, #tpu.memory_space<vmem_shared>>)
        tpu.yield
      }) : () -> ()
    }
    %scan3A_11 = arith.constant 5 : i32
    %mul3A = arith.constant 16 : i32
    %mul3A_12 = arith.muli %arg0, %mul3A : i32
    %add3A = arith.addi %mul3A_12, %arg1 : i32
    %mul3A_13 = arith.constant 80 : i32
    %mul3A_14 = arith.muli %add3A, %mul3A_13 : i32
    "tpu.region"() ({
      %run_scoped3A = tpu.sem_alloc : memref<!tpu.dma_semaphore, #tpu.memory_space<semaphore_mem>>
      %dma_start3A = arith.constant 0 : i32
      %dma_start3A_26 = tpu.memref_slice %arg2[%mul3A_14, %dma_start3A] : memref<2560x128xi32, #tpu.memory_space<hbm>> -> memref<80x128xi32, #tpu.memory_space<hbm>>
      %dma_start3A_27 = arith.constant 0 : i32
      %dma_start3A_28 = tpu.memref_slice %arg2[%mul3A_14, %dma_start3A_27] : memref<2560x128xi32, #tpu.memory_space<hbm>> -> memref<80x128xi32, #tpu.memory_space<hbm>>
      tpu.enqueue_dma source(%dma_start3A_28 : memref<80x128xi32, #tpu.memory_space<hbm>>) target(%arg6 : memref<80x128xi32, #tpu.memory_space<vmem>>) target_semaphore(%run_scoped3A : memref<!tpu.dma_semaphore, #tpu.memory_space<semaphore_mem>>)
      %dma_wait3A = arith.constant 0 : i32
      %dma_wait3A_29 = tpu.memref_slice %arg2[%mul3A_14, %dma_wait3A] : memref<2560x128xi32, #tpu.memory_space<hbm>> -> memref<80x128xi32, #tpu.memory_space<hbm>>
      %dma_wait3A_30 = arith.constant 0 : i32
      %dma_wait3A_31 = tpu.memref_slice %arg2[%mul3A_14, %dma_wait3A_30] : memref<2560x128xi32, #tpu.memory_space<hbm>> -> memref<80x128xi32, #tpu.memory_space<hbm>>
      tpu.wait_dma2 semaphore(%run_scoped3A : memref<!tpu.dma_semaphore, #tpu.memory_space<semaphore_mem>>) src(%dma_wait3A_31 : memref<80x128xi32, #tpu.memory_space<hbm>>) dst(%arg6 : memref<80x128xi32, #tpu.memory_space<vmem>>)
      tpu.yield
    }) : () -> ()
    "tpu.region"() ({
      %run_scoped3A = tpu.sem_alloc : memref<!tpu.dma_semaphore, #tpu.memory_space<semaphore_mem>>
      %dma_start3A = arith.constant 0 : i32
      %dma_start3A_26 = tpu.memref_slice %arg3[%mul3A_14, %dma_start3A] : memref<2560x128xi32, #tpu.memory_space<hbm>> -> memref<80x128xi32, #tpu.memory_space<hbm>>
      %dma_start3A_27 = arith.constant 0 : i32
      %dma_start3A_28 = tpu.memref_slice %arg3[%mul3A_14, %dma_start3A_27] : memref<2560x128xi32, #tpu.memory_space<hbm>> -> memref<80x128xi32, #tpu.memory_space<hbm>>
      tpu.enqueue_dma source(%dma_start3A_28 : memref<80x128xi32, #tpu.memory_space<hbm>>) target(%arg7 : memref<80x128xi32, #tpu.memory_space<vmem>>) target_semaphore(%run_scoped3A : memref<!tpu.dma_semaphore, #tpu.memory_space<semaphore_mem>>)
      %dma_wait3A = arith.constant 0 : i32
      %dma_wait3A_29 = tpu.memref_slice %arg3[%mul3A_14, %dma_wait3A] : memref<2560x128xi32, #tpu.memory_space<hbm>> -> memref<80x128xi32, #tpu.memory_space<hbm>>
      %dma_wait3A_30 = arith.constant 0 : i32
      %dma_wait3A_31 = tpu.memref_slice %arg3[%mul3A_14, %dma_wait3A_30] : memref<2560x128xi32, #tpu.memory_space<hbm>> -> memref<80x128xi32, #tpu.memory_space<hbm>>
      tpu.wait_dma2 semaphore(%run_scoped3A : memref<!tpu.dma_semaphore, #tpu.memory_space<semaphore_mem>>) src(%dma_wait3A_31 : memref<80x128xi32, #tpu.memory_space<hbm>>) dst(%arg7 : memref<80x128xi32, #tpu.memory_space<vmem>>)
      tpu.yield
    }) : () -> ()
    %barrier3A = arith.constant 0 : index
    tpu.barrier barrier_id(%barrier3A)
    %scan3A_15 = arith.constant 0 : i32
    %scan3A_16 = arith.constant 0 : i32
    %scan3A_17 = arith.constant 80 : i32
    %scan3A_18 = arith.addi %scan3A_16, %scan3A_17 : i32
    %scan3A_19 = arith.constant 1 : i32
    scf.for %scan3A_26 = %scan3A_16 to %scan3A_18 step %scan3A_19  : i32 {
      %dma_start3A = arith.constant 0 : i32
      %dma_start3A_27 = tpu.memref_slice %arg6[%scan3A_26, %dma_start3A] : memref<80x128xi32, #tpu.memory_space<vmem>> -> memref<1x128xi32, #tpu.memory_space<vmem>>
      %dma_start3A_28 = tpu.memref_squeeze %dma_start3A_27 : memref<1x128xi32, #tpu.memory_space<vmem>> -> memref<128xi32, #tpu.memory_space<vmem>>
      %dma_start3A_29 = arith.constant 0 : i32
      %dma_start3A_30 = arith.constant 0 : i32
      %dma_start3A_31 = tpu.memref_slice %arg4[%dma_start3A_29, %dma_start3A_30] : memref<10000x128xf32, #tpu.memory_space<hbm>> -> memref<10000x128xf32, #tpu.memory_space<hbm>>
      tpu.enqueue_indirect_dma source(%dma_start3A_31 : memref<10000x128xf32, #tpu.memory_space<hbm>>) target(%arg8 : memref<128x128xf32, #tpu.memory_space<vmem>>) offsets(%dma_start3A_28 : memref<128xi32, #tpu.memory_space<vmem>>) semaphore(%arg10 : memref<!tpu.dma_semaphore, #tpu.memory_space<semaphore_mem>>)
      %dma_wait3A = arith.constant 0 : i32
      %dma_wait3A_32 = tpu.memref_slice %arg6[%scan3A_26, %dma_wait3A] : memref<80x128xi32, #tpu.memory_space<vmem>> -> memref<1x128xi32, #tpu.memory_space<vmem>>
      %dma_wait3A_33 = tpu.memref_squeeze %dma_wait3A_32 : memref<1x128xi32, #tpu.memory_space<vmem>> -> memref<128xi32, #tpu.memory_space<vmem>>
      %dma_wait3A_34 = arith.constant 0 : i32
      %dma_wait3A_35 = arith.constant 0 : i32
      %dma_wait3A_36 = tpu.memref_slice %arg4[%dma_wait3A_34, %dma_wait3A_35] : memref<10000x128xf32, #tpu.memory_space<hbm>> -> memref<10000x128xf32, #tpu.memory_space<hbm>>
      tpu.wait_indirect_dma semaphore(%arg10 : memref<!tpu.dma_semaphore, #tpu.memory_space<semaphore_mem>>) src(%dma_wait3A_36 : memref<10000x128xf32, #tpu.memory_space<hbm>>) dst(%arg8 : memref<128x128xf32, #tpu.memory_space<vmem>>)
      "tpu.region"() ({
        %run_scoped3A = tpu.sem_alloc : memref<!tpu.dma_semaphore, #tpu.memory_space<semaphore_mem>>
        %dma_start3A_37 = arith.constant 0 : i32
        %dma_start3A_38 = tpu.memref_slice %arg7[%scan3A_26, %dma_start3A_37] : memref<80x128xi32, #tpu.memory_space<vmem>> -> memref<1x128xi32, #tpu.memory_space<vmem>>
        %dma_start3A_39 = tpu.memref_squeeze %dma_start3A_38 : memref<1x128xi32, #tpu.memory_space<vmem>> -> memref<128xi32, #tpu.memory_space<vmem>>
        %dma_start3A_40 = arith.constant 0 : i32
        %dma_start3A_41 = arith.constant 0 : i32
        %dma_start3A_42 = tpu.memref_slice %arg9[%dma_start3A_40, %dma_start3A_41] : memref<10240x128xf32, #tpu.memory_space<vmem_shared>> -> memref<10240x128xf32, #tpu.memory_space<vmem_shared>>
        tpu.enqueue_indirect_dma source(%arg8 : memref<128x128xf32, #tpu.memory_space<vmem>>) target(%dma_start3A_42 : memref<10240x128xf32, #tpu.memory_space<vmem_shared>>) offsets(%dma_start3A_39 : memref<128xi32, #tpu.memory_space<vmem>>) semaphore(%run_scoped3A : memref<!tpu.dma_semaphore, #tpu.memory_space<semaphore_mem>>) {add = true}
        %dma_wait3A_43 = arith.constant 0 : i32
        %dma_wait3A_44 = tpu.memref_slice %arg7[%scan3A_26, %dma_wait3A_43] : memref<80x128xi32, #tpu.memory_space<vmem>> -> memref<1x128xi32, #tpu.memory_space<vmem>>
        %dma_wait3A_45 = tpu.memref_squeeze %dma_wait3A_44 : memref<1x128xi32, #tpu.memory_space<vmem>> -> memref<128xi32, #tpu.memory_space<vmem>>
        %dma_wait3A_46 = arith.constant 0 : i32
        %dma_wait3A_47 = arith.constant 0 : i32
        %dma_wait3A_48 = tpu.memref_slice %arg9[%dma_wait3A_46, %dma_wait3A_47] : memref<10240x128xf32, #tpu.memory_space<vmem_shared>> -> memref<10240x128xf32, #tpu.memory_space<vmem_shared>>
        tpu.wait_indirect_dma semaphore(%run_scoped3A : memref<!tpu.dma_semaphore, #tpu.memory_space<semaphore_mem>>) src(%arg8 : memref<128x128xf32, #tpu.memory_space<vmem>>) dst(%dma_wait3A_48 : memref<10240x128xf32, #tpu.memory_space<vmem_shared>>)
        tpu.yield
      }) : () -> ()
    }
    %scan3A_20 = arith.constant 80 : i32
    %barrier3A_21 = arith.constant 0 : index
    tpu.barrier barrier_id(%barrier3A_21)
    %mul3A_22 = arith.constant 640 : i32
    %mul3A_23 = arith.muli %arg1, %mul3A_22 : i32
    %mul3A_24 = arith.constant 640 : i32
    %mul3A_25 = arith.muli %arg1, %mul3A_24 : i32
    "tpu.region"() ({
      %run_scoped3A = tpu.sem_alloc : memref<!tpu.dma_semaphore, #tpu.memory_space<semaphore_mem>>
      %dma_start3A = arith.constant 0 : i32
      %dma_start3A_26 = tpu.memref_slice %arg5[%arg0, %mul3A_25, %dma_start3A] : memref<2x10240x128xf32, #tpu.memory_space<hbm>> -> memref<1x640x128xf32, #tpu.memory_space<hbm>>
      %dma_start3A_27 = tpu.memref_squeeze %dma_start3A_26 : memref<1x640x128xf32, #tpu.memory_space<hbm>> -> memref<640x128xf32, #tpu.memory_space<hbm>>
      %dma_start3A_28 = arith.constant 0 : i32
      %dma_start3A_29 = tpu.memref_slice %arg9[%mul3A_23, %dma_start3A_28] : memref<10240x128xf32, #tpu.memory_space<vmem_shared>> -> memref<640x128xf32, #tpu.memory_space<vmem_shared>>
      tpu.enqueue_dma source(%dma_start3A_29 : memref<640x128xf32, #tpu.memory_space<vmem_shared>>) target(%dma_start3A_27 : memref<640x128xf32, #tpu.memory_space<hbm>>) target_semaphore(%run_scoped3A : memref<!tpu.dma_semaphore, #tpu.memory_space<semaphore_mem>>)
      %dma_wait3A = arith.constant 0 : i32
      %dma_wait3A_30 = tpu.memref_slice %arg5[%arg0, %mul3A_25, %dma_wait3A] : memref<2x10240x128xf32, #tpu.memory_space<hbm>> -> memref<1x640x128xf32, #tpu.memory_space<hbm>>
      %dma_wait3A_31 = tpu.memref_squeeze %dma_wait3A_30 : memref<1x640x128xf32, #tpu.memory_space<hbm>> -> memref<640x128xf32, #tpu.memory_space<hbm>>
      %dma_wait3A_32 = arith.constant 0 : i32
      %dma_wait3A_33 = tpu.memref_slice %arg9[%mul3A_23, %dma_wait3A_32] : memref<10240x128xf32, #tpu.memory_space<vmem_shared>> -> memref<640x128xf32, #tpu.memory_space<vmem_shared>>
      tpu.wait_dma2 semaphore(%run_scoped3A : memref<!tpu.dma_semaphore, #tpu.memory_space<semaphore_mem>>) src(%dma_wait3A_33 : memref<640x128xf32, #tpu.memory_space<vmem_shared>>) dst(%dma_wait3A_31 : memref<640x128xf32, #tpu.memory_space<hbm>>)
      tpu.yield
    }) : () -> ()
    return
  }
}

module attributes {stable_mosaic.version = 14 : i64} {
  func.func @_comb_body(%arg0: i32, %arg1: memref<2x1000x128xf32, #tpu.memory_space<vmem>>, %arg2: memref<1000x128xf32, #tpu.memory_space<vmem>>, %arg3: memref<1000x128xf32, #tpu.memory_space<vmem>>, %arg4: memref<1000x128xf32, #tpu.memory_space<vmem>>) attributes {dimension_semantics = [#tpu.dimension_semantics<arbitrary>], iteration_bounds = array<i64: 10>, scalar_prefetch = 0 : i64, scratch_operands = 0 : i64, tpu.core_type = #tpu.core_type<tc>, window_params = [{transform_indices = @transform_0, window_bounds = array<i64: 2, 1000, 128>}, {transform_indices = @transform_1, window_bounds = array<i64: 1000, 128>}, {transform_indices = @transform_2, window_bounds = array<i64: 1000, 128>}, {transform_indices = @transform_3, window_bounds = array<i64: 1000, 128>}]} {
    %get3A = arith.constant 0 : index
    %get3A_0 = arith.constant 0 : index
    %get3A_1 = arith.constant 0 : index
    %get3A_2 = vector.load %arg1[%get3A, %get3A_0, %get3A_1] : memref<2x1000x128xf32, #tpu.memory_space<vmem>>, vector<1x1000x128xf32>
    %get3A_3 = vector.shape_cast %get3A_2 : vector<1x1000x128xf32> to vector<1000x128xf32>
    %get3A_4 = arith.constant 1 : index
    %get3A_5 = arith.constant 0 : index
    %get3A_6 = arith.constant 0 : index
    %get3A_7 = vector.load %arg1[%get3A_4, %get3A_5, %get3A_6] : memref<2x1000x128xf32, #tpu.memory_space<vmem>>, vector<1x1000x128xf32>
    %get3A_8 = vector.shape_cast %get3A_7 : vector<1x1000x128xf32> to vector<1000x128xf32>
    %add3A = arith.addf %get3A_3, %get3A_8 : vector<1000x128xf32>
    %get3A_9 = arith.constant 0 : index
    %get3A_10 = arith.constant 0 : index
    %get3A_11 = vector.load %arg2[%get3A_9, %get3A_10] : memref<1000x128xf32, #tpu.memory_space<vmem>>, vector<1000x128xf32>
    %mul3A = arith.mulf %add3A, %get3A_11 : vector<1000x128xf32>
    %get3A_12 = arith.constant 0 : index
    %get3A_13 = arith.constant 0 : index
    %get3A_14 = vector.load %arg3[%get3A_12, %get3A_13] : memref<1000x128xf32, #tpu.memory_space<vmem>>, vector<1000x128xf32>
    %add3A_15 = arith.addf %mul3A, %get3A_14 : vector<1000x128xf32>
    %swap3A = arith.constant 0 : index
    %swap3A_16 = arith.constant 0 : index
    %swap3A_17 = vector.load %arg4[%swap3A, %swap3A_16] : memref<1000x128xf32, #tpu.memory_space<vmem>>, vector<1000x128xf32>
    tpu.vector_store %arg4[%swap3A, %swap3A_16], %add3A_15 {strides = array<i32>} : memref<1000x128xf32, #tpu.memory_space<vmem>>, vector<1000x128xf32>,
    return
  }
  func.func @transform_0(%arg0: i32) -> (i32, i32, i32) {
    %c0_i32 = arith.constant 0 : i32
    %c0_i32_0 = arith.constant 0 : i32
    %c0_i32_1 = arith.constant 0 : i32
    return %c0_i32, %arg0, %c0_i32_0 : i32, i32, i32
  }
  func.func @transform_1(%arg0: i32) -> (i32, i32) {
    %c0_i32 = arith.constant 0 : i32
    %c0_i32_0 = arith.constant 0 : i32
    return %arg0, %c0_i32 : i32, i32
  }
  func.func @transform_2(%arg0: i32) -> (i32, i32) {
    %c0_i32 = arith.constant 0 : i32
    %c0_i32_0 = arith.constant 0 : i32
    return %arg0, %c0_i32 : i32, i32
  }
  func.func @transform_3(%arg0: i32) -> (i32, i32) {
    %c0_i32 = arith.constant 0 : i32
    %c0_i32_0 = arith.constant 0 : i32
    return %arg0, %c0_i32 : i32, i32
  }
}

module attributes {stable_mosaic.version = 14 : i64} {
  func.func @_prep_body(%arg0: i32, %arg1: memref<1000x128xf32, #tpu.memory_space<vmem>>, %arg2: memref<128x128xf32, #tpu.memory_space<vmem>>, %arg3: memref<1x128xf32, #tpu.memory_space<vmem>>, %arg4: memref<1000x128xf32, #tpu.memory_space<vmem>>, %arg5: memref<1000x128xf32, #tpu.memory_space<vmem>>, %arg6: memref<1000x128xf32, #tpu.memory_space<vmem>>) attributes {dimension_semantics = [#tpu.dimension_semantics<arbitrary>], iteration_bounds = array<i64: 10>, scalar_prefetch = 0 : i64, scratch_operands = 0 : i64, tpu.core_type = #tpu.core_type<tc>, window_params = [{transform_indices = @transform_0, window_bounds = array<i64: 1000, 128>}, {pipeline_mode = #tpu.pipeline_mode<synchronous>, transform_indices = @transform_1, window_bounds = array<i64: 128, 128>}, {pipeline_mode = #tpu.pipeline_mode<synchronous>, transform_indices = @transform_2, window_bounds = array<i64: 1, 128>}, {transform_indices = @transform_3, window_bounds = array<i64: 1000, 128>}, {transform_indices = @transform_4, window_bounds = array<i64: 1000, 128>}, {transform_indices = @transform_5, window_bounds = array<i64: 1000, 128>}]} {
    %get3A = arith.constant 0 : index
    %get3A_0 = arith.constant 0 : index
    %get3A_1 = vector.load %arg4[%get3A, %get3A_0] : memref<1000x128xf32, #tpu.memory_space<vmem>>, vector<1000x128xf32>
    %get3A_2 = arith.constant 0 : index
    %get3A_3 = arith.constant 0 : index
    %get3A_4 = vector.load %arg1[%get3A_2, %get3A_3] : memref<1000x128xf32, #tpu.memory_space<vmem>>, vector<1000x128xf32>
    %get3A_5 = arith.constant 0 : index
    %get3A_6 = arith.constant 0 : index
    %get3A_7 = vector.load %arg2[%get3A_5, %get3A_6] : memref<128x128xf32, #tpu.memory_space<vmem>>, vector<128x128xf32>
    %dot_general3A = arith.constant dense<0.000000e+00> : vector<1000x128xf32>
    %dot_general3A_8 = tpu.matmul %get3A_4, %get3A_7, %dot_general3A {dimension_numbers = #tpu.dot_dimension_numbers<[1], [0], [0], [1], [0, 0, 1, 1], [], []>, transpose_lhs_hint = false} : vector<1000x128xf32>, vector<128x128xf32>, vector<1000x128xf32> -> vector<1000x128xf32>
    %mul3A = arith.mulf %dot_general3A_8, %get3A_1 : vector<1000x128xf32>
    %swap3A = arith.constant 0 : index
    %swap3A_9 = arith.constant 0 : index
    %swap3A_10 = vector.load %arg5[%swap3A, %swap3A_9] : memref<1000x128xf32, #tpu.memory_space<vmem>>, vector<1000x128xf32>
    tpu.vector_store %arg5[%swap3A, %swap3A_9], %mul3A {strides = array<i32>} : memref<1000x128xf32, #tpu.memory_space<vmem>>, vector<1000x128xf32>,
    %mul3A_11 = arith.mulf %mul3A, %get3A_1 : vector<1000x128xf32>
    %get3A_12 = arith.constant 0 : index
    %get3A_13 = arith.constant 0 : index
    %get3A_14 = vector.load %arg3[%get3A_12, %get3A_13] : memref<1x128xf32, #tpu.memory_space<vmem>>, vector<1x128xf32>
    %add3A = vector.broadcast %get3A_14 : vector<1x128xf32> to vector<1000x128xf32>
    %add3A_15 = arith.addf %mul3A_11, %add3A : vector<1000x128xf32>
    %swap3A_16 = arith.constant 0 : index
    %swap3A_17 = arith.constant 0 : index
    %swap3A_18 = vector.load %arg6[%swap3A_16, %swap3A_17] : memref<1000x128xf32, #tpu.memory_space<vmem>>, vector<1000x128xf32>
    tpu.vector_store %arg6[%swap3A_16, %swap3A_17], %add3A_15 {strides = array<i32>} : memref<1000x128xf32, #tpu.memory_space<vmem>>, vector<1000x128xf32>,
    return
  }
  func.func @transform_0(%arg0: i32) -> (i32, i32) {
    %c0_i32 = arith.constant 0 : i32
    %c0_i32_0 = arith.constant 0 : i32
    return %arg0, %c0_i32 : i32, i32
  }
  func.func @transform_1(%arg0: i32) -> (i32, i32) {
    %c0_i32 = arith.constant 0 : i32
    %c0_i32_0 = arith.constant 0 : i32
    %c0_i32_1 = arith.constant 0 : i32
    return %c0_i32, %c0_i32_0 : i32, i32
  }
  func.func @transform_2(%arg0: i32) -> (i32, i32) {
    %c0_i32 = arith.constant 0 : i32
    %c0_i32_0 = arith.constant 0 : i32
    %c0_i32_1 = arith.constant 0 : i32
    return %c0_i32, %c0_i32_0 : i32, i32
  }
  func.func @transform_3(%arg0: i32) -> (i32, i32) {
    %c0_i32 = arith.constant 0 : i32
    %c0_i32_0 = arith.constant 0 : i32
    return %arg0, %c0_i32 : i32, i32
  }
  func.func @transform_4(%arg0: i32) -> (i32, i32) {
    %c0_i32 = arith.constant 0 : i32
    %c0_i32_0 = arith.constant 0 : i32
    return %arg0, %c0_i32 : i32, i32
  }
  func.func @transform_5(%arg0: i32) -> (i32, i32) {
    %c0_i32 = arith.constant 0 : i32
    %c0_i32_0 = arith.constant 0 : i32
    return %arg0, %c0_i32 : i32, i32
  }
}

</mosaic_0001>

<sc_bundles>
// kernel: kernel.6.cloned.1.call-start
scs
__scs_entry_jumppad:
0x0: {  	(pc) =	sbr.rel $0x88, $3  }
0x1: {  	(tag) =	ssettag $0x0;
	lr =	simm.s32 $0x1  }
0x2: {  	[smem:$0x3F9D] =	sst lr;
	_ =	strace $0xD0000000  }
0x3: {  	_ = 	snop  }
0x4: {  	_ = 	snop  }
0x5: {  	_ = 	snop  }
0x6: {  	_ = 	snop  }
0x7: {  	_ = 	snop  }
__scs_overlays_trampoline_lowered:
0x8: {  	[smem:$0x3FAC] =	sst s0  }
0x9: {  	[smem:$0x3FAD] =	sst s1  }
0xa: {  	[smem:$0x3FAE] =	sst s2  }
0xb: {  	[smem:$0x3FAF] =	sst s3  }
0xc: {  	[smem:$0x3FB0] =	sst s4  }
0xd: {  	[smem:$0x3FB1] =	sst s5  }
0xe: {  	[smem:$0x3FB2] =	sst s6  }
0xf: {  	[smem:$0x3FB3] =	sst s7  }
0x10: {  	[smem:$0x3FB4] =	sst s8  }
0x11: {  	[smem:$0x3FB5] =	sst s9;
	s0 =	simm.s32 @!p0 $0x0  }
0x12: {  	s1 =	sld [smem:$0x3F9B];
	s0 =	simm.s32 @p0 $0x1  }
0x13: {  	[smem:$0x3FB6] =	sst s0;
	s0 =	simm.s32 @!p1 $0x0  }
0x14: {  	s2 =	sld [smem:$0x3F9A];
	s0 =	simm.s32 @p1 $0x1  }
0x15: {  	[smem:$0x3FB7] =	sst s0;
	s0 =	simm.s32 @!p2 $0x0  }
0x16: {  	s3 =	sld [smem:$0x3FDB];
	s0 =	simm.s32 @p2 $0x1  }
0x17: {  	s4 =	simm.s32 $0x1BF5;
	[smem:$0x3FB9] =	sst s0  }
0x18: {  	s0 =	sld [smem:$0x3F9C];
	_ =	swait.ge [sflag:s4], $0x0  }
0x19: {  	s7 =	sld [smem:$0x3F9D]  }
0x1a: {  	s8 =	sadd.s32 $0xFFFFE003, lr  }
0x1b: {  	s9 =	sadd.s32 $0xFFFFFEF7, lr;
	s5 =	simm.s32 $0xFFFFFFFF;
	p2 =	slt.u32 s8, $0xFFFFF086  }
0x1c: {  	p1 =	slt.u32 s9, $0xF7A;
	s5 =	simm.s32 @!p2 $0x0  }
0x1d: {  	s5 =	simm.s32 @p1 $0x1;
	p0 =	seq.s32 s7, s2  }
0x1e: {  	s7 =	smul.u32 @!p0 $0xF7A, s2;
	p2 =	seq.s32 @!p0 s5, $0x0  }
0x1f: {  	s9 =	smul.u32 $0xF7A, s1;
	s8 =	simm.s32 @!p0 $0x1BF5;
	p2 =	por !p2, p0  }
0x20: {  	[sflag:s8] =	ssyncset.s32 @!p0 $0xFFFFF086;
	s6 =	sadd.s32 @!p0 s3, s7;
	s7 =	simm.s32 @!p0 $0x108  }
0x21: {  	s3 =	sadd.s32 s3, s9;
	s6 =	sadd.s32 @!p0 $0x88, s6;
	s7 =	simm.s32 @p2 $0x1082  }
0x22: {  	[simem:s7], [sflag:s8] =	dma.local @!p0 [hbm:s6], $0xF7A  }
0x23: {  	s9 =	sor.u32 $0xD0000000, s2;
	s6 =	simm.s32 $0x108;
	_ =	swait.ge @!p0 [sflag:s8], $0x0  }
0x24: {  	s3 =	sadd.s32 $0x88, s3;
	s6 =	simm.s32 @!p1 $0x1082;
	[sflag:s4] =	ssyncset.s32 $0xFFFFF086  }
0x25: {  	[simem:s6], [sflag:s4] =	dma.local [hbm:s3], $0xF7A  }
0x26: {  	[smem:$0x3F9D] =	sst s1;
	(tag) =	ssettag s2;
	_ =	strace s9  }
0x27: {  	s1 =	sld [smem:$0x3FAD]  }
0x28: {  	s2 =	sld [smem:$0x3FAE]  }
0x29: {  	s4 =	sld [smem:$0x3FB0]  }
0x2a: {  	p0 =	seq.s32 s5, $0x0;
	s5 =	sld [smem:$0x3FB1]  }
0x2b: {  	s6 =	sld [smem:$0x3FB2]  }
0x2c: {  	s7 =	sld [smem:$0x3FB3]  }
0x2d: {  	s3 =	simm.s32 $0x108;
	s8 =	sld [smem:$0x3FB4]  }
0x2e: {  	s3 =	simm.s32 @!p0 $0x1082;
	s9 =	sld [smem:$0x3FB5]  }
0x2f: {  	lr =	sadd.s32 s0, s3;
	s0 =	sld [smem:$0x3FAC]  }
0x30: {  	s3 =	sld [smem:$0x3FAF]  }
0x31: {  	[smem:$0x3FB8] =	sst s10  }
0x32: {  	s10 =	sld [smem:$0x3FB6];
	_ =	sdelay $0x3  }
0x33: {  	p0 =	seq.s32 s10, $0x1;
	s10 =	sld [smem:$0x3FB8];
	_ =	sdelay $0x3  }
0x34: {  	[smem:$0x3FB8] =	sst s10  }
0x35: {  	s10 =	sld [smem:$0x3FB7];
	_ =	sdelay $0x3  }
0x36: {  	p1 =	seq.s32 s10, $0x1;
	s10 =	sld [smem:$0x3FB8];
	_ =	sdelay $0x3  }
0x37: {  	[smem:$0x3FB8] =	sst s10  }
0x38: {  	s10 =	sld [smem:$0x3FB9]  }
0x39: {  	_ = 	snop;
	(pc) =	sbr.ind lr, $3  }
0x3a: {  	_ = 	snop  }
0x3b: {  	_ = 	snop  }
0x3c: {  	p2 =	seq.s32 s10, $0x1;
	s10 =	sld [smem:$0x3FB8]  }
0x3d: {  	_ =	shalt  }
0x3e: {  	_ =	shalt  }
0x3f: {  	_ =	shalt  }
0x40: {  	_ =	shalt  }
0x41: {  	_ =	shalt  }
0x42: {  	_ =	shalt  }
0x43: {  	_ =	shalt  }
0x44: {  	_ =	shalt  }
0x45: {  	_ =	shalt  }
0x46: {  	_ =	shalt  }
0x47: {  	_ =	shalt  }
0x48: {  	_ =	shalt  }
0x49: {  	_ =	shalt  }
0x4a: {  	_ =	shalt  }
0x4b: {  	_ =	shalt  }
0x4c: {  	_ =	shalt  }
0x4d: {  	_ =	shalt  }
0x4e: {  	_ =	shalt  }
0x4f: {  	_ =	shalt  }
0x50: {  	_ =	shalt  }
0x51: {  	_ =	shalt  }
0x52: {  	_ =	shalt  }
0x53: {  	_ =	shalt  }
0x54: {  	_ =	shalt  }
0x55: {  	_ =	shalt  }
0x56: {  	_ =	shalt  }
0x57: {  	_ =	shalt  }
0x58: {  	_ =	shalt  }
0x59: {  	_ =	shalt  }
0x5a: {  	_ =	shalt  }
0x5b: {  	_ =	shalt  }
0x5c: {  	_ =	shalt  }
0x5d: {  	_ =	shalt  }
0x5e: {  	_ =	shalt  }
0x5f: {  	_ =	shalt  }
0x60: {  	_ =	shalt  }
0x61: {  	_ =	shalt  }
0x62: {  	_ =	shalt  }
0x63: {  	_ =	shalt  }
0x64: {  	_ =	shalt  }
0x65: {  	_ =	shalt  }
0x66: {  	_ =	shalt  }
0x67: {  	_ =	shalt  }
0x68: {  	_ =	shalt  }
0x69: {  	_ =	shalt  }
0x6a: {  	_ =	shalt  }
0x6b: {  	_ =	shalt  }
0x6c: {  	_ =	shalt  }
0x6d: {  	_ =	shalt  }
0x6e: {  	_ =	shalt  }
0x6f: {  	_ =	shalt  }
0x70: {  	_ =	shalt  }
0x71: {  	_ =	shalt  }
0x72: {  	_ =	shalt  }
0x73: {  	_ =	shalt  }
0x74: {  	_ =	shalt  }
0x75: {  	_ =	shalt  }
0x76: {  	_ =	shalt  }
0x77: {  	_ =	shalt  }
0x78: {  	_ =	shalt  }
0x79: {  	_ =	shalt  }
0x7a: {  	_ =	shalt  }
0x7b: {  	_ =	shalt  }
0x7c: {  	_ =	shalt  }
0x7d: {  	_ =	shalt  }
0x7e: {  	_ =	shalt  }
0x7f: {  	_ =	shalt  }
0x80: {  	_ =	shalt  }
0x81: {  	_ =	shalt  }
0x82: {  	_ =	shalt  }
0x83: {  	_ =	shalt  }
0x84: {  	_ =	shalt  }
0x85: {  	_ =	shalt  }
0x86: {  	_ =	shalt  }
0x87: {  	_ =	shalt  }
.Lfunc_end0:
.L_simem_size_0:
called_computation_lowered:
.L_overlay_start_0:
0x88: {  	s2 =	sld [smem:$0x3FD9]  }
0x89: {  	s3 =	sld [smem:$0x3FFE];
	_ =	sdelay $0x1  }
0x8a: {  	s1 =	srdreg.scid  }
0x8b: {  	s0 =	sand.u32 $0x1, s1  }
0x8c: {  	s17 =	sshll.u32 s0, $0xA;
	s2 =	sadd.s32 s3, s2  }
0x8d: {  	s2 =	sadd.s32 s2, s17  }
0x8e: {  	[smem:$0x3FC4] =	sst s2  }
0x8f: {  	_ = 	snop  }
0x90: {  	s2 =	sld [smem:$0x3FD0];
	(tm) =	ssettm $0x1  }
0x91: {  	s18 =	sld [smem:$0x3FFB];
	_ =	sdelay $0x3  }
0x92: {  	_ =	strace s18  }
0x93: {  	s3 =	sld [smem:$0x3FFC];
	_ =	sdelay $0x3  }
0x94: {  	_ =	strace s3  }
0x95: {  	s3 =	sld [smem:$0x3FFD];
	_ =	sdelay $0x3  }
0x96: {  	_ =	strace s3  }
0x97: {  	_ =	strace $0x8FFFFFFF  }
0x98: {  	s19 =	sld [smem:$0x3FDB];
	_ =	sdelay $0x1  }
0x99: {  	s4 =	simm.s32 $_scs_section_size  }
0x9a: {  	s5 =	simm.s32 $_size__tile_overlayer_lowered;
	s6 =	simm.s32 $_tile_overlayer_lowered  }
0x9b: {  	s22 =	simm.s32 $0x1BFF;
	s21 =	sshll.u32 s6, $0x1;
	s3 =	sadd.s32 s4, s19  }
0x9c: {  	s7 =	simm.s32 $0x0;
	s20 =	sshll.u32 s5, $0x1;
	s5 =	sadd.s32 s21, s3  }
0x9d: {  	[timem:s7], [sflag:s22] =	dma.local [hbm:s5], s20  }
0x9e: {  	_ =	swait.ge [sflag:s22], s20  }
0x9f: {  	s4 =	ssub.s32 $0x0, s20;
	[sflag:s22] =	ssyncset.done $0x0  }
0xa0: {  	[sflag:s22] =	ssyncadd.s32 s4;
	_ =	sdelay $0x1  }
0xa1: {  	s23 =	simm.s32 $0x1B8B  }
0xa2: {  	_ =	swait.ge [sflag:s23], $0x1  }
0xa3: {  	[sflag:s23] =	ssyncset.done $0x0  }
0xa4: {  	s25 =	simm.s32 $0x1B8E;
	s24 =	sld [smem:$0x3FFE];
	[sflag:s23] =	ssyncadd.s32 $0xFFFFFFFF  }
0xa5: {  	s26 =	simm.s32 $execute0_lowered;
	[smem:$0x3FD2] =	sst s25  }
0xa6: {  	s5 =	sshll.u32 s26, $0x1;
	_ =	strace $0x80000046;
	[dreg:$0x1] =	wrdreg $0xFFFFFFFF  }
0xa7: {  	s28 =	simm.s32 $_size_execute0_lowered;
	s3 =	sadd.s32 s3, s5;
	[dreg:$0x0] =	wrdreg $0x0  }
0xa8: {  	s5 =	sshll.u32 s28, $0x1;
	[dreg:$0x2] =	wrdreg s3  }
0xa9: {  	[dreg:$0x3] =	wrdreg s5  }
0xaa: {  	[dreg:$0x4] =	wrdreg $0xC0  }
0xab: {  	_ =	task [dreg:s7], $0x5FFFF  }
0xac: {  	[dreg:$0x1] =	wrdreg $0xFFFFFFFF  }
0xad: {  	[dreg:$0x0] =	wrdreg $0x60  }
0xae: {  	[dreg:$0x2] =	wrdreg s2  }
0xaf: {  	[dreg:$0x3] =	wrdreg s24  }
0xb0: {  	[dreg:$0x4] =	wrdreg $0xBF800  }
0xb1: {  	[dreg:$0x5] =	wrdreg $0x9  }
0xb2: {  	_ =	task.clear_ibuf [dreg:s7], $0x6FFFF;
	_ =	strace $0x90000046  }
0xb3: {  	s29 =	simm.s32 $0x9;
	_ =	strace $0x80000048  }
0xb4: {  	_ =	swait.ge [sflag:s29], $0x1  }
0xb5: {  	[sflag:s29] =	ssyncadd.s32 $0xFFFFFFFF  }
0xb6: {  	_ =	strace $0x90000048  }
0xb7: {  	_ =	sfence  }
0xb8: {  	s30 =	sld [smem:$0x0];
	_ =	sdelay $0x2  }
0xb9: {  	s31 =	sshll.u32 s1, $0xD;
	s1 =	sshrl.u32 s1, $0x2  }
0xba: {  	s3 =	sand.u32 $0x4000, s31;
	s1 =	sadd.s32 s1, s30  }
0xbb: {  	s0 =	sor.u32 s3, s0;
	s1 =	sshll.u32 s1, $0x11  }
0xbc: {  	s0 =	sor.u32 s1, s0  }
0xbd: {  	s0 =	sadd.s32 $0x8F2B, s0  }
0xbe: {  	[sflag:s0] =	ssyncadd.remote.s32 $0x1  }
0xbf: {  	_ =	sfence.sel $0xFFFF  }
0xc0: {  	[dreg:$0x0] =	wrdreg $0xFFFFFFFF;
	(pc) =	sbr.abs _section_cstart, $3  }
0xc1: {  	[dreg:$0x1] =	wrdreg $0xFFFFFFFF  }
0xc2: {  	_ =	task.clear_ibuf [dreg:s7], $0x2FFFF;
	_ =	strace $0x9FFFFFFF  }
0xc3: {  	(tm) =	ssettm $0x7FFFFFFF  }
tec
execute0_lowered:
.L_overlay_start_1:
0x0: {  	(tag) =	ssettag $0x1  }
0x1: {  	s1 =	srdreg.scid  }
0x2: {  	s1 =	sand.u32 $0x1, s1  }
0x3: {  	p0 =	seq.s32 s1, $0x1  }
.Ltmp0:
0x4: {  	s3 =	rddreg [dreg:$0x0];
	(pc) =	sbr.rel @p0 .LBB2_41-.Ltmp0, $4  }
0x5: {  	s2 =	rddreg [dreg:$0x1]  }
0x6: {  	s4 =	rddreg [dreg:$0x2];
	s21 =	simm.s32 $0x0  }
0x7: {  	[smem:$0x7FF] =	sst s21  }
0x8: {  	s0 =	rddreg [dreg:$0x3];
	_ =	strace $0x80000047;
	s1 =	stileid.u32  }
0x9: {  	s6 =	smul.u32 $0x5000, s1  }
0xa: {  	s5 =	sshrl.u32 s1, $0x3;
	s31 =	smul.u32 $0xA00, s1  }
0xb: {  	s7 =	sshll.u32 s1, $0x7;
	s2 =	sadd.s32 $0x1400, s2;
	s5 =	smul.u32 $0x50000, s5  }
0xc: {  	s22 =	simm.s32 $0x1;
	s7 =	sand.u32 $0x380, s7;
	s6 =	sshrl.u32 s6, $0x2  }
0xd: {  	s3 =	sadd.s32 s3, s31;
	s5 =	sshrl.u32 s5, $0x2;
	s19 =	sadd.s32 s6, s4  }
0xe: {  	[tilespmem:s21], [sflag:$0x1] =	stream.linear.gather [hbm4b:s3+s21], $0x5000, $0x38;
	[tilespmem:$0xE780] =	vst v63  }
0xf: {  	s3 =	smul.u32 $0x14000, s1;
	s5 =	sadd.s32 s5, s4;
	s18 =	sadd.s32 $0x80, s19  }
0x10: {  	s17 =	sadd.s32 $0x100, s19;
	s16 =	sadd.s32 $0x180, s19;
	s15 =	sadd.s32 $0x200, s19  }
0x11: {  	s14 =	sadd.s32 $0x280, s19;
	s13 =	sadd.s32 $0x300, s19;
	s12 =	sadd.s32 $0x380, s19  }
0x12: {  	s11 =	sadd.s32 $0x14000, s19;
	s10 =	sadd.s32 $0x14080, s19;
	s9 =	sadd.s32 $0x14100, s19  }
0x13: {  	s8 =	sadd.s32 $0x14180, s19;
	_ =	swait.ge [sflag:s22], $0x5000;
	s6 =	sadd.s32 $0x14280, s19  }
0x14: {  	s4 =	sadd.s32 $0x14380, s19;
	s20 =	sadd.s32 s7, s5;
	[sflag:s22] =	ssyncset.done $0x0  }
0x15: {  	v0 =	vimm.f32 $0.0e+00;
	s7 =	sadd.s32 $0x14200, s19;
	s5 =	sadd.s32 $0x14300, s19;
	[sflag:s22] =	ssyncadd.s32 $0xFFFFB000  }
.LBB2_2:
0x16: {  	p0 =	sne.s32 s21, $0x9FC0  }
.Ltmp1:
0x17: {  	_ = 	snop;
	(pc) =	sbr.rel @p0 .LBB2_2-.Ltmp1, $3  }
0x18: {  	_ =	sdelay $0x1  }
0x19: {  	s22 =	sshra.s32 s21, $0x2  }
0x1a: {  	s21 =	sadd.s32 $0x40, s21;
	[tilespmem:s22+$0x5000] =	vst v0  }
0x1b: {  	v0 =	vimm.f32 $1.000000000e+00;
	s21 =	simm.s32 $0x5000;
	s23 =	simm.s32 $0x0;
	s22 =	simm.s32 $0x40  }
.LBB2_4:
0x1c: {  	p0 =	sne.s32 s22, $0x13FC0;
	v1 =	vld [tilespmem:s23+$0x0];
	_ =	sdelay $0x3  }
.Ltmp2:
0x1d: {  	(pc) =	sbr.rel @p0 .LBB2_4-.Ltmp2, $2  }
0x1e: {  	_ =	sdelay $0x2  }
0x1f: {  	s23 =	sshra.s32 s22, $0x2;
	s22 =	sadd.s32 $0x40, s22;
	[tilespmem:v1+s21+$0x0] =	vst.idx.add.f32.msk $0xffff, v0  }
0x20: {  	v1 =	vld [tilespmem:s23+$0x0];
	_ =	sdelay $0x6  }
0x21: {  	s26 =	simm.s32 $0x80  }
0x22: {  	s22 =	simm.s32 $0x400;
	s28 =	simm.s32 $0x5000;
	s29 =	simm.s32 $0x1;
	[tilespmem:v1+s21+$0x0] =	vst.idx.add.f32.msk $0xffff, v0  }
0x23: {  	[spmem:s20] =	stream.strided.scatter [tilespmem:s28], [sflag:$0x1], $0x2800, s22, s26, $0x38;
	[tilespmem:$0xE780] =	vst v63  }
0x24: {  	_ =	swait.ge [sflag:s29], $0x2800  }
0x25: {  	[sflag:s29] =	ssyncset.done $0x0  }
0x26: {  	[sflag:s29] =	ssyncadd.s32 $0xFFFFD800  }
0x27: {  	s30 =	simm.s32 $0x7800;
	[bflag:$0x0] =	sbarrier.arrive $0xFFFF  }
0x28: {  	[tilespmem:s30], [sflag:$0x1] =	stream.strided.gather [spmem:s19], $0x280, s22, s26, $0x38;
	[tilespmem:$0xE780] =	vst v63  }
0x29: {  	_ =	swait.ge [sflag:s29], $0x280  }
0x2a: {  	[sflag:s29] =	ssyncset.done $0x0  }
0x2b: {  	s31 =	simm.s32 $0x7A80;
	[sflag:s29] =	ssyncadd.s32 $0xFFFFFD80  }
0x2c: {  	[tilespmem:s31], [sflag:$0x1] =	stream.strided.gather [spmem:s18], $0x280, s22, s26, $0x38;
	[tilespmem:$0xE780] =	vst v63  }
0x2d: {  	_ =	swait.ge [sflag:s29], $0x280  }
0x2e: {  	[sflag:s29] =	ssyncset.done $0x0  }
0x2f: {  	s18 =	simm.s32 $0x0;
	[sflag:s29] =	ssyncadd.s32 $0xFFFFFD80  }
0x30: {  	s19 =	simm.s32 $0x40;
	v0 =	vld [tilespmem:s18+$0x7A80]  }
.LBB2_6:
0x31: {  	p0 =	sne.s32 s19, $0x9C0;
	v1 =	vld [tilespmem:s18+$0x7800];
	_ =	sdelay $0x2  }
.Ltmp3:
0x32: {  	(pc) =	sbr.rel @p0 .LBB2_6-.Ltmp3, $4  }
0x33: {  	_ = 	snop  }
0x34: {  	v1 =	vadd.f32 v0, v1  }
0x35: {  	s20 =	sshra.s32 s19, $0x2  }
0x36: {  	s19 =	sadd.s32 $0x40, s19;
	v0 =	vld [tilespmem:s20+$0x7A80];
	[tilespmem:s18+$0x7800] =	vst v1;
	s18 =	smov.u32 s20  }
0x37: {  	v1 =	vld [tilespmem:s18+$0x7800];
	_ =	sdelay $0x4  }
0x38: {  	v0 =	vadd.f32 v0, v1  }
0x39: {  	s30 =	simm.s32 $0x80  }
0x3a: {  	s19 =	simm.s32 $0x400;
	s20 =	simm.s32 $0x7A80;
	s31 =	simm.s32 $0x1;
	[tilespmem:s18+$0x7800] =	vst v0  }
0x3b: {  	[tilespmem:s20], [sflag:$0x1] =	stream.strided.gather [spmem:s17], $0x280, s19, s30, $0x38;
	[tilespmem:$0xE780] =	vst v63  }
0x3c: {  	_ =	swait.ge [sflag:s31], $0x280  }
0x3d: {  	[sflag:s31] =	ssyncset.done $0x0  }
0x3e: {  	s17 =	simm.s32 $0x0;
	[sflag:s31] =	ssyncadd.s32 $0xFFFFFD80  }
0x3f: {  	s18 =	simm.s32 $0x40;
	v0 =	vld [tilespmem:s17+$0x7A80]  }
.LBB2_8:
0x40: {  	p0 =	sne.s32 s18, $0x9C0;
	v1 =	vld [tilespmem:s17+$0x7800];
	_ =	sdelay $0x2  }
.Ltmp4:
0x41: {  	(pc) =	sbr.rel @p0 .LBB2_8-.Ltmp4, $4  }
0x42: {  	_ = 	snop  }
0x43: {  	v1 =	vadd.f32 v0, v1  }
0x44: {  	s19 =	sshra.s32 s18, $0x2  }
0x45: {  	s18 =	sadd.s32 $0x40, s18;
	v0 =	vld [tilespmem:s19+$0x7A80];
	[tilespmem:s17+$0x7800] =	vst v1;
	s17 =	smov.u32 s19  }
0x46: {  	v1 =	vld [tilespmem:s17+$0x7800];
	_ =	sdelay $0x4  }
0x47: {  	v0 =	vadd.f32 v0, v1  }
0x48: {  	s30 =	simm.s32 $0x80  }
0x49: {  	s18 =	simm.s32 $0x400;
	s19 =	simm.s32 $0x7A80;
	s31 =	simm.s32 $0x1;
	[tilespmem:s17+$0x7800] =	vst v0  }
0x4a: {  	[tilespmem:s19], [sflag:$0x1] =	stream.strided.gather [spmem:s16], $0x280, s18, s30, $0x38;
	[tilespmem:$0xE780] =	vst v63  }
0x4b: {  	_ =	swait.ge [sflag:s31], $0x280  }
0x4c: {  	[sflag:s31] =	ssyncset.done $0x0  }
0x4d: {  	s16 =	simm.s32 $0x0;
	[sflag:s31] =	ssyncadd.s32 $0xFFFFFD80  }
0x4e: {  	s17 =	simm.s32 $0x40;
	v0 =	vld [tilespmem:s16+$0x7A80]  }
.LBB2_10:
0x4f: {  	p0 =	sne.s32 s17, $0x9C0;
	v1 =	vld [tilespmem:s16+$0x7800];
	_ =	sdelay $0x2  }
.Ltmp5:
0x50: {  	(pc) =	sbr.rel @p0 .LBB2_10-.Ltmp5, $4  }
0x51: {  	_ = 	snop  }
0x52: {  	v1 =	vadd.f32 v0, v1  }
0x53: {  	s18 =	sshra.s32 s17, $0x2  }
0x54: {  	s17 =	sadd.s32 $0x40, s17;
	v0 =	vld [tilespmem:s18+$0x7A80];
	[tilespmem:s16+$0x7800] =	vst v1;
	s16 =	smov.u32 s18  }
0x55: {  	v1 =	vld [tilespmem:s16+$0x7800];
	_ =	sdelay $0x4  }
0x56: {  	v0 =	vadd.f32 v0, v1  }
0x57: {  	s30 =	simm.s32 $0x80  }
0x58: {  	s17 =	simm.s32 $0x400;
	s18 =	simm.s32 $0x7A80;
	s31 =	simm.s32 $0x1;
	[tilespmem:s16+$0x7800] =	vst v0  }
0x59: {  	[tilespmem:s18], [sflag:$0x1] =	stream.strided.gather [spmem:s15], $0x280, s17, s30, $0x38;
	[tilespmem:$0xE780] =	vst v63  }
0x5a: {  	_ =	swait.ge [sflag:s31], $0x280  }
0x5b: {  	[sflag:s31] =	ssyncset.done $0x0  }
0x5c: {  	s15 =	simm.s32 $0x0;
	[sflag:s31] =	ssyncadd.s32 $0xFFFFFD80  }
0x5d: {  	s16 =	simm.s32 $0x40;
	v0 =	vld [tilespmem:s15+$0x7A80]  }
.LBB2_12:
0x5e: {  	p0 =	sne.s32 s16, $0x9C0;
	v1 =	vld [tilespmem:s15+$0x7800];
	_ =	sdelay $0x2  }
.Ltmp6:
0x5f: {  	(pc) =	sbr.rel @p0 .LBB2_12-.Ltmp6, $4  }
0x60: {  	_ = 	snop  }
0x61: {  	v1 =	vadd.f32 v0, v1  }
0x62: {  	s17 =	sshra.s32 s16, $0x2  }
0x63: {  	s16 =	sadd.s32 $0x40, s16;
	v0 =	vld [tilespmem:s17+$0x7A80];
	[tilespmem:s15+$0x7800] =	vst v1;
	s15 =	smov.u32 s17  }
0x64: {  	v1 =	vld [tilespmem:s15+$0x7800];
	_ =	sdelay $0x4  }
0x65: {  	v0 =	vadd.f32 v0, v1  }
0x66: {  	s30 =	simm.s32 $0x80  }
0x67: {  	s16 =	simm.s32 $0x400;
	s17 =	simm.s32 $0x7A80;
	s31 =	simm.s32 $0x1;
	[tilespmem:s15+$0x7800] =	vst v0  }
0x68: {  	[tilespmem:s17], [sflag:$0x1] =	stream.strided.gather [spmem:s14], $0x280, s16, s30, $0x38;
	[tilespmem:$0xE780] =	vst v63  }
0x69: {  	_ =	swait.ge [sflag:s31], $0x280  }
0x6a: {  	[sflag:s31] =	ssyncset.done $0x0  }
0x6b: {  	s14 =	simm.s32 $0x0;
	[sflag:s31] =	ssyncadd.s32 $0xFFFFFD80  }
0x6c: {  	s15 =	simm.s32 $0x40;
	v0 =	vld [tilespmem:s14+$0x7A80]  }
.LBB2_14:
0x6d: {  	p0 =	sne.s32 s15, $0x9C0;
	v1 =	vld [tilespmem:s14+$0x7800];
	_ =	sdelay $0x2  }
.Ltmp7:
0x6e: {  	(pc) =	sbr.rel @p0 .LBB2_14-.Ltmp7, $4  }
0x6f: {  	_ = 	snop  }
0x70: {  	v1 =	vadd.f32 v0, v1  }
0x71: {  	s16 =	sshra.s32 s15, $0x2  }
0x72: {  	s15 =	sadd.s32 $0x40, s15;
	v0 =	vld [tilespmem:s16+$0x7A80];
	[tilespmem:s14+$0x7800] =	vst v1;
	s14 =	smov.u32 s16  }
0x73: {  	v1 =	vld [tilespmem:s14+$0x7800];
	_ =	sdelay $0x4  }
0x74: {  	v0 =	vadd.f32 v0, v1  }
0x75: {  	s30 =	simm.s32 $0x80  }
0x76: {  	s15 =	simm.s32 $0x400;
	s16 =	simm.s32 $0x7A80;
	s31 =	simm.s32 $0x1;
	[tilespmem:s14+$0x7800] =	vst v0  }
0x77: {  	[tilespmem:s16], [sflag:$0x1] =	stream.strided.gather [spmem:s13], $0x280, s15, s30, $0x38;
	[tilespmem:$0xE780] =	vst v63  }
0x78: {  	_ =	swait.ge [sflag:s31], $0x280  }
0x79: {  	[sflag:s31] =	ssyncset.done $0x0  }
0x7a: {  	s13 =	simm.s32 $0x0;
	[sflag:s31] =	ssyncadd.s32 $0xFFFFFD80  }
0x7b: {  	s14 =	simm.s32 $0x40;
	v0 =	vld [tilespmem:s13+$0x7A80]  }
.LBB2_16:
0x7c: {  	p0 =	sne.s32 s14, $0x9C0;
	v1 =	vld [tilespmem:s13+$0x7800];
	_ =	sdelay $0x2  }
.Ltmp8:
0x7d: {  	(pc) =	sbr.rel @p0 .LBB2_16-.Ltmp8, $4  }
0x7e: {  	_ = 	snop  }
0x7f: {  	v1 =	vadd.f32 v0, v1  }
0x80: {  	s15 =	sshra.s32 s14, $0x2  }
0x81: {  	s14 =	sadd.s32 $0x40, s14;
	v0 =	vld [tilespmem:s15+$0x7A80];
	[tilespmem:s13+$0x7800] =	vst v1;
	s13 =	smov.u32 s15  }
0x82: {  	v1 =	vld [tilespmem:s13+$0x7800];
	_ =	sdelay $0x4  }
0x83: {  	v0 =	vadd.f32 v0, v1  }
0x84: {  	s30 =	simm.s32 $0x80  }
0x85: {  	s14 =	simm.s32 $0x400;
	s15 =	simm.s32 $0x7A80;
	s31 =	simm.s32 $0x1;
	[tilespmem:s13+$0x7800] =	vst v0  }
0x86: {  	[tilespmem:s15], [sflag:$0x1] =	stream.strided.gather [spmem:s12], $0x280, s14, s30, $0x38;
	[tilespmem:$0xE780] =	vst v63  }
0x87: {  	_ =	swait.ge [sflag:s31], $0x280  }
0x88: {  	[sflag:s31] =	ssyncset.done $0x0  }
0x89: {  	s12 =	simm.s32 $0x0;
	[sflag:s31] =	ssyncadd.s32 $0xFFFFFD80  }
0x8a: {  	s13 =	simm.s32 $0x40;
	v0 =	vld [tilespmem:s12+$0x7A80]  }
.LBB2_18:
0x8b: {  	p0 =	sne.s32 s13, $0x9C0;
	v1 =	vld [tilespmem:s12+$0x7800];
	_ =	sdelay $0x2  }
.Ltmp9:
0x8c: {  	(pc) =	sbr.rel @p0 .LBB2_18-.Ltmp9, $4  }
0x8d: {  	_ = 	snop  }
0x8e: {  	v1 =	vadd.f32 v0, v1  }
0x8f: {  	s14 =	sshra.s32 s13, $0x2  }
0x90: {  	s13 =	sadd.s32 $0x40, s13;
	v0 =	vld [tilespmem:s14+$0x7A80];
	[tilespmem:s12+$0x7800] =	vst v1;
	s12 =	smov.u32 s14  }
0x91: {  	v1 =	vld [tilespmem:s12+$0x7800];
	_ =	sdelay $0x4  }
0x92: {  	v0 =	vadd.f32 v0, v1  }
0x93: {  	s30 =	simm.s32 $0x80  }
0x94: {  	s13 =	simm.s32 $0x400;
	s14 =	simm.s32 $0x7A80;
	s31 =	simm.s32 $0x1;
	[tilespmem:s12+$0x7800] =	vst v0  }
0x95: {  	[tilespmem:s14], [sflag:$0x1] =	stream.strided.gather [spmem:s11], $0x280, s13, s30, $0x38;
	[tilespmem:$0xE780] =	vst v63  }
0x96: {  	_ =	swait.ge [sflag:s31], $0x280  }
0x97: {  	[sflag:s31] =	ssyncset.done $0x0  }
0x98: {  	s11 =	simm.s32 $0x0;
	[sflag:s31] =	ssyncadd.s32 $0xFFFFFD80  }
0x99: {  	s12 =	simm.s32 $0x40;
	v0 =	vld [tilespmem:s11+$0x7A80]  }
.LBB2_20:
0x9a: {  	p0 =	sne.s32 s12, $0x9C0;
	v1 =	vld [tilespmem:s11+$0x7800];
	_ =	sdelay $0x2  }
.Ltmp10:
0x9b: {  	(pc) =	sbr.rel @p0 .LBB2_20-.Ltmp10, $4  }
0x9c: {  	_ = 	snop  }
0x9d: {  	v1 =	vadd.f32 v0, v1  }
0x9e: {  	s13 =	sshra.s32 s12, $0x2  }
0x9f: {  	s12 =	sadd.s32 $0x40, s12;
	v0 =	vld [tilespmem:s13+$0x7A80];
	[tilespmem:s11+$0x7800] =	vst v1;
	s11 =	smov.u32 s13  }
0xa0: {  	v1 =	vld [tilespmem:s11+$0x7800];
	_ =	sdelay $0x4  }
0xa1: {  	v0 =	vadd.f32 v0, v1  }
0xa2: {  	s30 =	simm.s32 $0x80  }
0xa3: {  	s12 =	simm.s32 $0x400;
	s13 =	simm.s32 $0x7A80;
	s31 =	simm.s32 $0x1;
	[tilespmem:s11+$0x7800] =	vst v0  }
0xa4: {  	[tilespmem:s13], [sflag:$0x1] =	stream.strided.gather [spmem:s10], $0x280, s12, s30, $0x38;
	[tilespmem:$0xE780] =	vst v63  }
0xa5: {  	_ =	swait.ge [sflag:s31], $0x280  }
0xa6: {  	[sflag:s31] =	ssyncset.done $0x0  }
0xa7: {  	s10 =	simm.s32 $0x0;
	[sflag:s31] =	ssyncadd.s32 $0xFFFFFD80  }
0xa8: {  	s11 =	simm.s32 $0x40;
	v0 =	vld [tilespmem:s10+$0x7A80]  }
.LBB2_22:
0xa9: {  	p0 =	sne.s32 s11, $0x9C0;
	v1 =	vld [tilespmem:s10+$0x7800];
	_ =	sdelay $0x2  }
.Ltmp11:
0xaa: {  	(pc) =	sbr.rel @p0 .LBB2_22-.Ltmp11, $4  }
0xab: {  	_ = 	snop  }
0xac: {  	v1 =	vadd.f32 v0, v1  }
0xad: {  	s12 =	sshra.s32 s11, $0x2  }
0xae: {  	s11 =	sadd.s32 $0x40, s11;
	v0 =	vld [tilespmem:s12+$0x7A80];
	[tilespmem:s10+$0x7800] =	vst v1;
	s10 =	smov.u32 s12  }
0xaf: {  	v1 =	vld [tilespmem:s10+$0x7800];
	_ =	sdelay $0x4  }
0xb0: {  	v0 =	vadd.f32 v0, v1  }
0xb1: {  	s30 =	simm.s32 $0x80  }
0xb2: {  	s11 =	simm.s32 $0x400;
	s12 =	simm.s32 $0x7A80;
	s31 =	simm.s32 $0x1;
	[tilespmem:s10+$0x7800] =	vst v0  }
0xb3: {  	[tilespmem:s12], [sflag:$0x1] =	stream.strided.gather [spmem:s9], $0x280, s11, s30, $0x38;
	[tilespmem:$0xE780] =	vst v63  }
0xb4: {  	_ =	swait.ge [sflag:s31], $0x280  }
0xb5: {  	[sflag:s31] =	ssyncset.done $0x0  }
0xb6: {  	s9 =	simm.s32 $0x0;
	[sflag:s31] =	ssyncadd.s32 $0xFFFFFD80  }
0xb7: {  	s10 =	simm.s32 $0x40;
	v0 =	vld [tilespmem:s9+$0x7A80]  }
.LBB2_24:
0xb8: {  	p0 =	sne.s32 s10, $0x9C0;
	v1 =	vld [tilespmem:s9+$0x7800];
	_ =	sdelay $0x2  }
.Ltmp12:
0xb9: {  	(pc) =	sbr.rel @p0 .LBB2_24-.Ltmp12, $4  }
0xba: {  	_ = 	snop  }
0xbb: {  	v1 =	vadd.f32 v0, v1  }
0xbc: {  	s11 =	sshra.s32 s10, $0x2  }
0xbd: {  	s10 =	sadd.s32 $0x40, s10;
	v0 =	vld [tilespmem:s11+$0x7A80];
	[tilespmem:s9+$0x7800] =	vst v1;
	s9 =	smov.u32 s11  }
0xbe: {  	v1 =	vld [tilespmem:s9+$0x7800];
	_ =	sdelay $0x4  }
0xbf: {  	v0 =	vadd.f32 v0, v1  }
0xc0: {  	s30 =	simm.s32 $0x80  }
0xc1: {  	s10 =	simm.s32 $0x400;
	s11 =	simm.s32 $0x7A80;
	s31 =	simm.s32 $0x1;
	[tilespmem:s9+$0x7800] =	vst v0  }
0xc2: {  	[tilespmem:s11], [sflag:$0x1] =	stream.strided.gather [spmem:s8], $0x280, s10, s30, $0x38;
	[tilespmem:$0xE780] =	vst v63  }
0xc3: {  	_ =	swait.ge [sflag:s31], $0x280  }
0xc4: {  	[sflag:s31] =	ssyncset.done $0x0  }
0xc5: {  	s8 =	simm.s32 $0x0;
	[sflag:s31] =	ssyncadd.s32 $0xFFFFFD80  }
0xc6: {  	s9 =	simm.s32 $0x40;
	v0 =	vld [tilespmem:s8+$0x7A80]  }
.LBB2_26:
0xc7: {  	p0 =	sne.s32 s9, $0x9C0;
	v1 =	vld [tilespmem:s8+$0x7800];
	_ =	sdelay $0x2  }
.Ltmp13:
0xc8: {  	(pc) =	sbr.rel @p0 .LBB2_26-.Ltmp13, $4  }
0xc9: {  	_ = 	snop  }
0xca: {  	v1 =	vadd.f32 v0, v1  }
0xcb: {  	s10 =	sshra.s32 s9, $0x2  }
0xcc: {  	s9 =	sadd.s32 $0x40, s9;
	v0 =	vld [tilespmem:s10+$0x7A80];
	[tilespmem:s8+$0x7800] =	vst v1;
	s8 =	smov.u32 s10  }
0xcd: {  	v1 =	vld [tilespmem:s8+$0x7800];
	_ =	sdelay $0x4  }
0xce: {  	v0 =	vadd.f32 v0, v1  }
0xcf: {  	s30 =	simm.s32 $0x80  }
0xd0: {  	s9 =	simm.s32 $0x400;
	s10 =	simm.s32 $0x7A80;
	s31 =	simm.s32 $0x1;
	[tilespmem:s8+$0x7800] =	vst v0  }
0xd1: {  	[tilespmem:s10], [sflag:$0x1] =	stream.strided.gather [spmem:s7], $0x280, s9, s30, $0x38;
	[tilespmem:$0xE780] =	vst v63  }
0xd2: {  	_ =	swait.ge [sflag:s31], $0x280  }
0xd3: {  	[sflag:s31] =	ssyncset.done $0x0  }
0xd4: {  	s7 =	simm.s32 $0x0;
	[sflag:s31] =	ssyncadd.s32 $0xFFFFFD80  }
0xd5: {  	s8 =	simm.s32 $0x40;
	v0 =	vld [tilespmem:s7+$0x7A80]  }
.LBB2_28:
0xd6: {  	p0 =	sne.s32 s8, $0x9C0;
	v1 =	vld [tilespmem:s7+$0x7800];
	_ =	sdelay $0x2  }
.Ltmp14:
0xd7: {  	(pc) =	sbr.rel @p0 .LBB2_28-.Ltmp14, $4  }
0xd8: {  	_ = 	snop  }
0xd9: {  	v1 =	vadd.f32 v0, v1  }
0xda: {  	s9 =	sshra.s32 s8, $0x2  }
0xdb: {  	s8 =	sadd.s32 $0x40, s8;
	v0 =	vld [tilespmem:s9+$0x7A80];
	[tilespmem:s7+$0x7800] =	vst v1;
	s7 =	smov.u32 s9  }
0xdc: {  	v1 =	vld [tilespmem:s7+$0x7800];
	_ =	sdelay $0x4  }
0xdd: {  	v0 =	vadd.f32 v0, v1  }
0xde: {  	s30 =	simm.s32 $0x80  }
0xdf: {  	s8 =	simm.s32 $0x400;
	s9 =	simm.s32 $0x7A80;
	s31 =	simm.s32 $0x1;
	[tilespmem:s7+$0x7800] =	vst v0  }
0xe0: {  	[tilespmem:s9], [sflag:$0x1] =	stream.strided.gather [spmem:s6], $0x280, s8, s30, $0x38;
	[tilespmem:$0xE780] =	vst v63  }
0xe1: {  	_ =	swait.ge [sflag:s31], $0x280  }
0xe2: {  	[sflag:s31] =	ssyncset.done $0x0  }
0xe3: {  	s6 =	simm.s32 $0x0;
	[sflag:s31] =	ssyncadd.s32 $0xFFFFFD80  }
0xe4: {  	s7 =	simm.s32 $0x40;
	v0 =	vld [tilespmem:s6+$0x7A80]  }
.LBB2_30:
0xe5: {  	p0 =	sne.s32 s7, $0x9C0;
	v1 =	vld [tilespmem:s6+$0x7800];
	_ =	sdelay $0x2  }
.Ltmp15:
0xe6: {  	(pc) =	sbr.rel @p0 .LBB2_30-.Ltmp15, $4  }
0xe7: {  	_ = 	snop  }
0xe8: {  	v1 =	vadd.f32 v0, v1  }
0xe9: {  	s8 =	sshra.s32 s7, $0x2  }
0xea: {  	s7 =	sadd.s32 $0x40, s7;
	v0 =	vld [tilespmem:s8+$0x7A80];
	[tilespmem:s6+$0x7800] =	vst v1;
	s6 =	smov.u32 s8  }
0xeb: {  	v1 =	vld [tilespmem:s6+$0x7800];
	_ =	sdelay $0x4  }
0xec: {  	v0 =	vadd.f32 v0, v1  }
0xed: {  	s30 =	simm.s32 $0x80  }
0xee: {  	s7 =	simm.s32 $0x400;
	s8 =	simm.s32 $0x7A80;
	s31 =	simm.s32 $0x1;
	[tilespmem:s6+$0x7800] =	vst v0  }
0xef: {  	[tilespmem:s8], [sflag:$0x1] =	stream.strided.gather [spmem:s5], $0x280, s7, s30, $0x38;
	[tilespmem:$0xE780] =	vst v63  }
0xf0: {  	_ =	swait.ge [sflag:s31], $0x280  }
0xf1: {  	[sflag:s31] =	ssyncset.done $0x0  }
0xf2: {  	s5 =	simm.s32 $0x0;
	[sflag:s31] =	ssyncadd.s32 $0xFFFFFD80  }
0xf3: {  	s6 =	simm.s32 $0x40;
	v0 =	vld [tilespmem:s5+$0x7A80]  }
.LBB2_32:
0xf4: {  	p0 =	sne.s32 s6, $0x9C0;
	v1 =	vld [tilespmem:s5+$0x7800];
	_ =	sdelay $0x2  }
.Ltmp16:
0xf5: {  	(pc) =	sbr.rel @p0 .LBB2_32-.Ltmp16, $4  }
0xf6: {  	_ = 	snop  }
0xf7: {  	v1 =	vadd.f32 v0, v1  }
0xf8: {  	s7 =	sshra.s32 s6, $0x2  }
0xf9: {  	s6 =	sadd.s32 $0x40, s6;
	v0 =	vld [tilespmem:s7+$0x7A80];
	[tilespmem:s5+$0x7800] =	vst v1;
	s5 =	smov.u32 s7  }
0xfa: {  	v1 =	vld [tilespmem:s5+$0x7800];
	_ =	sdelay $0x4  }
0xfb: {  	v0 =	vadd.f32 v0, v1  }
0xfc: {  	s30 =	simm.s32 $0x80  }
0xfd: {  	s6 =	simm.s32 $0x400;
	s7 =	simm.s32 $0x7A80;
	s31 =	simm.s32 $0x1;
	[tilespmem:s5+$0x7800] =	vst v0  }
0xfe: {  	[tilespmem:s7], [sflag:$0x1] =	stream.strided.gather [spmem:s4], $0x280, s6, s30, $0x38;
	[tilespmem:$0xE780] =	vst v63  }
0xff: {  	_ =	swait.ge [sflag:s31], $0x280  }
0x100: {  	[sflag:s31] =	ssyncset.done $0x0  }
0x101: {  	s4 =	simm.s32 $0x0;
	[sflag:s31] =	ssyncadd.s32 $0xFFFFFD80  }
0x102: {  	s5 =	simm.s32 $0x0;
	s6 =	simm.s32 $0x40;
	v0 =	vld [tilespmem:s4+$0x7A80]  }
.LBB2_34:
0x103: {  	p0 =	sne.s32 s6, $0x9C0;
	v1 =	vld [tilespmem:s5+$0x7800];
	_ =	sdelay $0x2  }
.Ltmp17:
0x104: {  	(pc) =	sbr.rel @p0 .LBB2_34-.Ltmp17, $4  }
0x105: {  	_ = 	snop  }
0x106: {  	v1 =	vadd.f32 v0, v1  }
0x107: {  	s7 =	sshra.s32 s6, $0x2  }
0x108: {  	s6 =	sadd.s32 $0x40, s6;
	v0 =	vld [tilespmem:s7+$0x7A80];
	[tilespmem:s5+$0x7800] =	vst v1;
	s5 =	smov.u32 s7  }
0x109: {  	v1 =	vld [tilespmem:s5+$0x7800];
	_ =	sdelay $0x4  }
0x10a: {  	v0 =	vadd.f32 v0, v1;
	_ =	sdelay $0x1  }
0x10b: {  	[tilespmem:s5+$0x7800] =	vst v0  }
0x10c: {  	v0 =	vld [tilespmem:s4+$0x7800];
	_ =	sdelay $0x4  }
0x10d: {  	s5 =	simm.s32 $0x10;
	v0 =	vadd.f32 $1.000000000e+00, v0  }
0x10e: {  	v1 =	vld [tilespmem:s5+$0x7800]  }
0x10f: {  	v2 =	vshrl.u32 v0, $0x1;
	v3 =	vmul.f32 $5.000000000e-01, v0  }
0x110: {  	v0 =	vsub.s32 $0x5F3759DF, v2  }
0x111: {  	v2 =	vmul.f32 v0, v3  }
0x112: {  	s6 =	simm.s32 $0x20  }
0x113: {  	v4 =	vld [tilespmem:s6+$0x7800];
	v1 =	vadd.f32 $1.000000000e+00, v1;
	v2 =	vmul.f32 v0, v2;
	_ =	sdelay $0x1  }
0x114: {  	v5 =	vshrl.u32 v1, $0x1;
	v7 =	vmul.f32 $5.000000000e-01, v1;
	v1 =	vsub.f32 $1.500000000e+00, v2  }
0x115: {  	v2 =	vsub.s32 $0x5F3759DF, v5  }
0x116: {  	v5 =	vmul.f32 v2, v7;
	v1 =	vmul.f32 v0, v1  }
0x117: {  	s7 =	simm.s32 $0x30;
	v0 =	vadd.f32 $1.000000000e+00, v4  }
0x118: {  	v4 =	vld [tilespmem:s7+$0x7800];
	v5 =	vmul.f32 v2, v5;
	v6 =	vmul.f32 v1, v3  }
0x119: {  	v8 =	vshrl.u32 v0, $0x1;
	v0 =	vmul.f32 $5.000000000e-01, v0  }
0x11a: {  	v5 =	vsub.f32 $1.500000000e+00, v5;
	v8 =	vsub.s32 $0x5F3759DF, v8;
	v6 =	vmul.f32 v6, v1  }
0x11b: {  	v9 =	vmul.f32 v8, v0  }
0x11c: {  	v2 =	vmul.f32 v2, v5;
	v5 =	vsub.f32 $1.500000000e+00, v6  }
0x11d: {  	v4 =	vadd.f32 $1.000000000e+00, v4;
	v9 =	vmul.f32 v8, v9  }
0x11e: {  	s8 =	simm.s32 $0x40;
	v10 =	vmul.f32 v2, v7;
	v5 =	vmul.f32 v5, v1  }
0x11f: {  	v6 =	vld [tilespmem:s8+$0x7800];
	v11 =	vshrl.u32 v4, $0x1;
	v1 =	vmul.f32 $5.000000000e-01, v4;
	v4 =	vsub.f32 $1.500000000e+00, v9  }
0x120: {  	v12 =	vsub.s32 $0x5F3759DF, v11;
	v9 =	vmul.f32 v10, v2;
	v3 =	vmul.f32 v5, v3  }
0x121: {  	v10 =	vmul.f32 v12, v1;
	v4 =	vmul.f32 v8, v4  }
0x122: {  	v8 =	vsub.f32 $1.500000000e+00, v9;
	v3 =	vmul.f32 v3, v5  }
0x123: {  	v9 =	vmul.f32 v12, v10;
	v10 =	vmul.f32 v4, v0  }
0x124: {  	s9 =	simm.s32 $0x50;
	v6 =	vadd.f32 $1.000000000e+00, v6;
	v2 =	vmul.f32 v8, v2  }
0x125: {  	v13 =	vsub.f32 $1.500000000e+00, v3;
	v14 =	vsub.f32 $1.500000000e+00, v9;
	v9 =	vmul.f32 v10, v4;
	v10 =	vld [tilespmem:s9+$0x7800]  }
0x126: {  	v11 =	vshrl.u32 v6, $0x1;
	v3 =	vmul.f32 $5.000000000e-01, v6  }
0x127: {  	v6 =	vsub.s32 $0x5F3759DF, v11;
	v8 =	vmul.f32 v2, v7;
	v5 =	vmul.f32 v13, v5  }
0x128: {  	s10 =	simm.s32 $0x180;
	v11 =	vmul.f32 v6, v3;
	v7 =	vmul.f32 v12, v14  }
.LBB2_36:
0x129: {  	s11 =	sshra.s32 s10, $0x2  }
0x12a: {  	v12 =	vadd.f32 $1.000000000e+00, v10;
	v9 =	vsub.f32 $1.500000000e+00, v9;
	v8 =	vmul.f32 v8, v2;
	[tilespmem:s4+$0x7D00] =	vst v5;
	s4 =	smov.u32 s5;
	s5 =	smov.u32 s6;
	p0 =	sne.s32 s10, $0x9C0  }
.Ltmp18:
0x12b: {  	s6 =	smov.u32 s7;
	s7 =	smov.u32 s8;
	v10 =	vld [tilespmem:s11+$0x7800];
	v5 =	vmul.f32 v6, v11;
	v11 =	vmul.f32 v7, v1;
	(pc) =	sbr.rel @p0 .LBB2_36-.Ltmp18, $4  }
0x12c: {  	s10 =	sadd.s32 $0x40, s10;
	s8 =	smov.u32 s9;
	v13 =	vshrl.u32 v12, $0x1;
	v14 =	vmul.f32 v9, v4;
	v15 =	vsub.f32 $1.500000000e+00, v8;
	v4 =	vmovc v7  }
0x12d: {  	s9 =	smov.u32 s11;
	v12 =	vmul.f32 $5.000000000e-01, v12;
	v7 =	vsub.f32 $1.500000000e+00, v5;
	v9 =	vmul.f32 v11, v4  }
0x12e: {  	v13 =	vsub.s32 $0x5F3759DF, v13;
	v8 =	vmul.f32 v14, v0;
	v5 =	vmul.f32 v15, v2;
	v2 =	vmovc v14;
	v0 =	vmovc v1  }
0x12f: {  	v11 =	vmul.f32 v13, v12;
	v1 =	vmovc v3;
	v3 =	vmovc v12;
	v7 =	vmul.f32 v6, v7;
	v6 =	vmov v13  }
0x130: {  	v10 =	vadd.f32 $1.000000000e+00, v10;
	_ =	sdelay $0x1  }
0x131: {  	v12 =	vshrl.u32 v10, $0x1;
	v10 =	vmul.f32 $5.000000000e-01, v10  }
0x132: {  	v12 =	vsub.s32 $0x5F3759DF, v12  }
0x133: {  	v13 =	vmul.f32 v12, v10  }
0x134: {  	v11 =	vmul.f32 v6, v11  }
0x135: {  	v13 =	vmul.f32 v12, v13  }
0x136: {  	v11 =	vsub.f32 $1.500000000e+00, v11  }
0x137: {  	v13 =	vsub.f32 $1.500000000e+00, v13  }
0x138: {  	v50 =	vmul.f32 v6, v11  }
0x139: {  	v51 =	vmul.f32 v7, v1;
	v12 =	vmul.f32 v12, v13  }
0x13a: {  	v52 =	vmul.f32 v50, v3  }
0x13b: {  	v11 =	vmul.f32 v51, v7;
	v14 =	vmul.f32 v12, v10  }
0x13c: {  	v9 =	vsub.f32 $1.500000000e+00, v9;
	v13 =	vmul.f32 v52, v50  }
0x13d: {  	v11 =	vsub.f32 $1.500000000e+00, v11;
	v14 =	vmul.f32 v14, v12  }
0x13e: {  	v4 =	vmul.f32 v9, v4;
	v53 =	vsub.f32 $1.500000000e+00, v13  }
0x13f: {  	v8 =	vmul.f32 v8, v2;
	v54 =	vmul.f32 v11, v7;
	v55 =	vsub.f32 $1.500000000e+00, v14  }
0x140: {  	v0 =	vmul.f32 v4, v0;
	v6 =	vmul.f32 v53, v50  }
0x141: {  	v56 =	vmul.f32 v54, v1;
	v57 =	vmul.f32 v55, v12  }
0x142: {  	v0 =	vmul.f32 v0, v4;
	v58 =	vmul.f32 v6, v3  }
0x143: {  	v8 =	vsub.f32 $1.500000000e+00, v8;
	v1 =	vmul.f32 v56, v54;
	v10 =	vmul.f32 v57, v10  }
0x144: {  	v0 =	vsub.f32 $1.500000000e+00, v0;
	v3 =	vmul.f32 v58, v6  }
0x145: {  	v59 =	vmul.f32 v8, v2;
	v1 =	vsub.f32 $1.500000000e+00, v1;
	v60 =	vmul.f32 v10, v57  }
0x146: {  	[tilespmem:s4+$0x7D00] =	vst v5;
	v0 =	vmul.f32 v0, v4;
	v3 =	vsub.f32 $1.500000000e+00, v3  }
0x147: {  	[tilespmem:s5+$0x7D00] =	vst v59;
	v1 =	vmul.f32 v1, v54;
	v61 =	vsub.f32 $1.500000000e+00, v60  }
0x148: {  	[tilespmem:s6+$0x7D00] =	vst v0;
	v62 =	vmul.f32 v3, v6  }
0x149: {  	[tilespmem:s7+$0x7D00] =	vst v1;
	v63 =	vmul.f32 v61, v57  }
0x14a: {  	s4 =	simm.s32 $0x0;
	s5 =	simm.s32 $0x7D00;
	s6 =	simm.s32 $0x7F80;
	[tilespmem:s8+$0x7D00] =	vst v62  }
0x14b: {  	s7 =	simm.s32 $0x1;
	s8 =	simm.s32 $0x0;
	[tilespmem:s9+$0x7D00] =	vst v63;
	s9 =	simm.s32 $0x0  }
.LBB2_38:
0x14c: {  	s10 =	sadd.s32 $0x0, s8  }
0x14d: {  	v0 =	vmov s10;
	_ =	sdelay $0x4  }
0x14e: {  	v0 =	vld.idx.msk [tilespmem:v0+s5+$0x0], $0xffff;
	_ =	sdelay $0x3  }
0x14f: {  	s10 =	simm.s32 $0x7FC0  }
0x150: {  	[tilespmem:s10+$0xFFFFFFC0] =	vst v0  }
0x151: {  	[tilespmem:s10+$0xFFFFFFD0] =	vst v0  }
0x152: {  	s12 =	sadd.s32 $0x1, s8;
	s11 =	simm.s32 $0x2;
	[tilespmem:s10+$0xFFFFFFE0] =	vst v0  }
.LBB2_39:
0x153: {  	p0 =	sne.s32 s11, $0x7F;
	v1 =	vmov s12;
	[tilespmem:s10+$0xFFFFFFF0] =	vst v0  }
0x154: {  	[tilespmem:s10+$0x0] =	vst v0  }
0x155: {  	[tilespmem:s10+$0x10] =	vst v0  }
0x156: {  	[tilespmem:s10+$0x20] =	vst v0  }
0x157: {  	[tilespmem:s10+$0x30] =	vst v0  }
0x158: {  	v0 =	vld.idx.msk [tilespmem:v1+s5+$0x0], $0xffff;
	_ =	sdelay $0x3  }
.Ltmp19:
0x159: {  	(pc) =	sbr.rel @p0 .LBB2_39-.Ltmp19, $4  }
0x15a: {  	s10 =	sadd.s32 $0x80, s10  }
0x15b: {  	[tilespmem:s10+$0xFFFFFFC0] =	vst v0  }
0x15c: {  	[tilespmem:s10+$0xFFFFFFD0] =	vst v0  }
0x15d: {  	s12 =	sadd.s32 s11, s8;
	s11 =	sadd.s32 $0x1, s11;
	[tilespmem:s10+$0xFFFFFFE0] =	vst v0  }
0x15e: {  	v1 =	vmov s12;
	[tilespmem:s10+$0xFFFFFFF0] =	vst v0  }
0x15f: {  	[tilespmem:s10+$0x0] =	vst v0  }
0x160: {  	[tilespmem:s10+$0x10] =	vst v0  }
0x161: {  	[tilespmem:s10+$0x20] =	vst v0  }
0x162: {  	[tilespmem:s10+$0x30] =	vst v0  }
0x163: {  	v0 =	vld.idx.msk [tilespmem:v1+s5+$0x0], $0xffff;
	_ =	sdelay $0x3  }
0x164: {  	s30 =	sadd.s32 $0x80, s10  }
0x165: {  	[tilespmem:s30+$0xFFFFFFC0] =	vst v0  }
0x166: {  	[tilespmem:s30+$0xFFFFFFD0] =	vst v0  }
0x167: {  	[tilespmem:s30+$0xFFFFFFE0] =	vst v0  }
0x168: {  	[tilespmem:s30+$0xFFFFFFF0] =	vst v0  }
0x169: {  	s11 =	sshll.u32 s9, $0xE;
	[tilespmem:s30+$0x0] =	vst v0  }
0x16a: {  	s9 =	sadd.s32 $0x1, s9;
	s11 =	sadd.s32 s3, s11;
	[tilespmem:s30+$0x10] =	vst v0  }
0x16b: {  	p0 =	sne.s32 s9, $0x5;
	s11 =	sshrl.u32 s11, $0x3;
	[tilespmem:s30+$0x20] =	vst v0  }
.Ltmp20:
0x16c: {  	s31 =	sadd.s32 s2, s11;
	[tilespmem:s30+$0x30] =	vst v0;
	(pc) =	sbr.rel @p0 .LBB2_38-.Ltmp20, $4  }
0x16d: {  	[hbm4b:s31+s4] =	stream.linear.scatter [tilespmem:s6], [sflag:$0x1], $0x4000, $0x38;
	[tilespmem:$0xE780] =	vst v63  }
0x16e: {  	_ =	swait.ge [sflag:s7], $0x4000  }
0x16f: {  	[sflag:s7] =	ssyncset.done $0x0  }
0x170: {  	s8 =	sadd.s32 $0x80, s8;
	[sflag:s7] =	ssyncadd.s32 $0xFFFFC000  }
.LBB2_41:
0x171: {  	_ =	sfence.sel $0x180000  }
0x172: {  	[bflag:$0x0] =	sbarrier.arrive $0xFFFF  }
0x173: {  	p0 =	sne.s32 s1, $0x0;
	_ =	strace $0x90000047  }
0x174: {  	s0 =	sadd.s32 @!p0 $0x100000, s0;
	[bflag:$0x2] =	sbarrier.arrive $0xFFFF  }
0x175: {  	[sflag:s0] =	ssyncadd.tile.s32 @!p0 $0x1;
	_ =	shalt  }
.Lfunc_end2:
_tile_overlayer_lowered:
.L_overlay_start_2:
0x176: {  	(tag) =	ssettag $0x2  }
0x177: {  	s0 =	rddreg [dreg:$0x0];
	s2 =	stileid.u32  }
0x178: {  	s1 =	rddreg [dreg:$0x1];
	p0 =	sne.s32 s2, $0x0  }
0x179: {  	s3 =	rddreg [dreg:$0x2];
	[bflag:$0x3] =	sbarrier.arrive $0xFFFF;
	s2 =	simm.s32 @!p0 $0x1C01  }
0x17a: {  	[timem:s3], [sflag:s2] =	dma.local @!p0 [hbm:s0], s1  }
0x17b: {  	s0 =	simm.s32 @!p0 $0x1  }
0x17c: {  	_ =	swait.ge @!p0 [sflag:s0], s1  }
0x17d: {  	s1 =	ssub.s32 @!p0 $0x0, s1;
	[sflag:s0] =	ssyncset.done @!p0 $0x0  }
0x17e: {  	[sflag:s0] =	ssyncadd.s32 @!p0 s1  }
0x17f: {  	[bflag:$0x3] =	sbarrier.arrive $0xFFFF  }
0x180: {  	_ =	shalt  }

// kernel: kernel.9.cloned.1.call-start
scs
__scs_entry_jumppad:
0x0: {  	(pc) =	sbr.rel $0x88, $3  }
0x1: {  	(tag) =	ssettag $0x0;
	lr =	simm.s32 $0x1  }
0x2: {  	[smem:$0x3F9D] =	sst lr;
	_ =	strace $0xD0000000  }
0x3: {  	_ = 	snop  }
0x4: {  	_ = 	snop  }
0x5: {  	_ = 	snop  }
0x6: {  	_ = 	snop  }
0x7: {  	_ = 	snop  }
__scs_overlays_trampoline_lowered:
0x8: {  	[smem:$0x3FAC] =	sst s0  }
0x9: {  	[smem:$0x3FAD] =	sst s1  }
0xa: {  	[smem:$0x3FAE] =	sst s2  }
0xb: {  	[smem:$0x3FAF] =	sst s3  }
0xc: {  	[smem:$0x3FB0] =	sst s4  }
0xd: {  	[smem:$0x3FB1] =	sst s5  }
0xe: {  	[smem:$0x3FB2] =	sst s6  }
0xf: {  	[smem:$0x3FB3] =	sst s7  }
0x10: {  	[smem:$0x3FB4] =	sst s8  }
0x11: {  	[smem:$0x3FB5] =	sst s9;
	s0 =	simm.s32 @!p0 $0x0  }
0x12: {  	s1 =	sld [smem:$0x3F9B];
	s0 =	simm.s32 @p0 $0x1  }
0x13: {  	[smem:$0x3FB6] =	sst s0;
	s0 =	simm.s32 @!p1 $0x0  }
0x14: {  	s2 =	sld [smem:$0x3F9A];
	s0 =	simm.s32 @p1 $0x1  }
0x15: {  	[smem:$0x3FB7] =	sst s0;
	s0 =	simm.s32 @!p2 $0x0  }
0x16: {  	s3 =	sld [smem:$0x3FDB];
	s0 =	simm.s32 @p2 $0x1  }
0x17: {  	s4 =	simm.s32 $0x1BF5;
	[smem:$0x3FB9] =	sst s0  }
0x18: {  	s0 =	sld [smem:$0x3F9C];
	_ =	swait.ge [sflag:s4], $0x0  }
0x19: {  	s7 =	sld [smem:$0x3F9D]  }
0x1a: {  	s8 =	sadd.s32 $0xFFFFE003, lr  }
0x1b: {  	s9 =	sadd.s32 $0xFFFFFEF7, lr;
	s5 =	simm.s32 $0xFFFFFFFF;
	p2 =	slt.u32 s8, $0xFFFFF086  }
0x1c: {  	p1 =	slt.u32 s9, $0xF7A;
	s5 =	simm.s32 @!p2 $0x0  }
0x1d: {  	s5 =	simm.s32 @p1 $0x1;
	p0 =	seq.s32 s7, s2  }
0x1e: {  	s7 =	smul.u32 @!p0 $0xF7A, s2;
	p2 =	seq.s32 @!p0 s5, $0x0  }
0x1f: {  	s9 =	smul.u32 $0xF7A, s1;
	s8 =	simm.s32 @!p0 $0x1BF5;
	p2 =	por !p2, p0  }
0x20: {  	[sflag:s8] =	ssyncset.s32 @!p0 $0xFFFFF086;
	s6 =	sadd.s32 @!p0 s3, s7;
	s7 =	simm.s32 @!p0 $0x108  }
0x21: {  	s3 =	sadd.s32 s3, s9;
	s6 =	sadd.s32 @!p0 $0x88, s6;
	s7 =	simm.s32 @p2 $0x1082  }
0x22: {  	[simem:s7], [sflag:s8] =	dma.local @!p0 [hbm:s6], $0xF7A  }
0x23: {  	s9 =	sor.u32 $0xD0000000, s2;
	s6 =	simm.s32 $0x108;
	_ =	swait.ge @!p0 [sflag:s8], $0x0  }
0x24: {  	s3 =	sadd.s32 $0x88, s3;
	s6 =	simm.s32 @!p1 $0x1082;
	[sflag:s4] =	ssyncset.s32 $0xFFFFF086  }
0x25: {  	[simem:s6], [sflag:s4] =	dma.local [hbm:s3], $0xF7A  }
0x26: {  	[smem:$0x3F9D] =	sst s1;
	(tag) =	ssettag s2;
	_ =	strace s9  }
0x27: {  	s1 =	sld [smem:$0x3FAD]  }
0x28: {  	s2 =	sld [smem:$0x3FAE]  }
0x29: {  	s4 =	sld [smem:$0x3FB0]  }
0x2a: {  	p0 =	seq.s32 s5, $0x0;
	s5 =	sld [smem:$0x3FB1]  }
0x2b: {  	s6 =	sld [smem:$0x3FB2]  }
0x2c: {  	s7 =	sld [smem:$0x3FB3]  }
0x2d: {  	s3 =	simm.s32 $0x108;
	s8 =	sld [smem:$0x3FB4]  }
0x2e: {  	s3 =	simm.s32 @!p0 $0x1082;
	s9 =	sld [smem:$0x3FB5]  }
0x2f: {  	lr =	sadd.s32 s0, s3;
	s0 =	sld [smem:$0x3FAC]  }
0x30: {  	s3 =	sld [smem:$0x3FAF]  }
0x31: {  	[smem:$0x3FB8] =	sst s10  }
0x32: {  	s10 =	sld [smem:$0x3FB6];
	_ =	sdelay $0x3  }
0x33: {  	p0 =	seq.s32 s10, $0x1;
	s10 =	sld [smem:$0x3FB8];
	_ =	sdelay $0x3  }
0x34: {  	[smem:$0x3FB8] =	sst s10  }
0x35: {  	s10 =	sld [smem:$0x3FB7];
	_ =	sdelay $0x3  }
0x36: {  	p1 =	seq.s32 s10, $0x1;
	s10 =	sld [smem:$0x3FB8];
	_ =	sdelay $0x3  }
0x37: {  	[smem:$0x3FB8] =	sst s10  }
0x38: {  	s10 =	sld [smem:$0x3FB9]  }
0x39: {  	_ = 	snop;
	(pc) =	sbr.ind lr, $3  }
0x3a: {  	_ = 	snop  }
0x3b: {  	_ = 	snop  }
0x3c: {  	p2 =	seq.s32 s10, $0x1;
	s10 =	sld [smem:$0x3FB8]  }
0x3d: {  	_ =	shalt  }
0x3e: {  	_ =	shalt  }
0x3f: {  	_ =	shalt  }
0x40: {  	_ =	shalt  }
0x41: {  	_ =	shalt  }
0x42: {  	_ =	shalt  }
0x43: {  	_ =	shalt  }
0x44: {  	_ =	shalt  }
0x45: {  	_ =	shalt  }
0x46: {  	_ =	shalt  }
0x47: {  	_ =	shalt  }
0x48: {  	_ =	shalt  }
0x49: {  	_ =	shalt  }
0x4a: {  	_ =	shalt  }
0x4b: {  	_ =	shalt  }
0x4c: {  	_ =	shalt  }
0x4d: {  	_ =	shalt  }
0x4e: {  	_ =	shalt  }
0x4f: {  	_ =	shalt  }
0x50: {  	_ =	shalt  }
0x51: {  	_ =	shalt  }
0x52: {  	_ =	shalt  }
0x53: {  	_ =	shalt  }
0x54: {  	_ =	shalt  }
0x55: {  	_ =	shalt  }
0x56: {  	_ =	shalt  }
0x57: {  	_ =	shalt  }
0x58: {  	_ =	shalt  }
0x59: {  	_ =	shalt  }
0x5a: {  	_ =	shalt  }
0x5b: {  	_ =	shalt  }
0x5c: {  	_ =	shalt  }
0x5d: {  	_ =	shalt  }
0x5e: {  	_ =	shalt  }
0x5f: {  	_ =	shalt  }
0x60: {  	_ =	shalt  }
0x61: {  	_ =	shalt  }
0x62: {  	_ =	shalt  }
0x63: {  	_ =	shalt  }
0x64: {  	_ =	shalt  }
0x65: {  	_ =	shalt  }
0x66: {  	_ =	shalt  }
0x67: {  	_ =	shalt  }
0x68: {  	_ =	shalt  }
0x69: {  	_ =	shalt  }
0x6a: {  	_ =	shalt  }
0x6b: {  	_ =	shalt  }
0x6c: {  	_ =	shalt  }
0x6d: {  	_ =	shalt  }
0x6e: {  	_ =	shalt  }
0x6f: {  	_ =	shalt  }
0x70: {  	_ =	shalt  }
0x71: {  	_ =	shalt  }
0x72: {  	_ =	shalt  }
0x73: {  	_ =	shalt  }
0x74: {  	_ =	shalt  }
0x75: {  	_ =	shalt  }
0x76: {  	_ =	shalt  }
0x77: {  	_ =	shalt  }
0x78: {  	_ =	shalt  }
0x79: {  	_ =	shalt  }
0x7a: {  	_ =	shalt  }
0x7b: {  	_ =	shalt  }
0x7c: {  	_ =	shalt  }
0x7d: {  	_ =	shalt  }
0x7e: {  	_ =	shalt  }
0x7f: {  	_ =	shalt  }
0x80: {  	_ =	shalt  }
0x81: {  	_ =	shalt  }
0x82: {  	_ =	shalt  }
0x83: {  	_ =	shalt  }
0x84: {  	_ =	shalt  }
0x85: {  	_ =	shalt  }
0x86: {  	_ =	shalt  }
0x87: {  	_ =	shalt  }
.Lfunc_end0:
.L_simem_size_0:
called_computation.1_lowered:
.L_overlay_start_0:
0x88: {  	s2 =	sld [smem:$0x3FD9]  }
0x89: {  	s3 =	sld [smem:$0x3FFE];
	_ =	sdelay $0x1  }
0x8a: {  	s1 =	srdreg.scid  }
0x8b: {  	s0 =	sand.u32 $0x1, s1  }
0x8c: {  	s17 =	sshll.u32 s0, $0xA;
	s2 =	sadd.s32 s3, s2  }
0x8d: {  	s2 =	sadd.s32 s2, s17  }
0x8e: {  	[smem:$0x3FC4] =	sst s2  }
0x8f: {  	_ = 	snop  }
0x90: {  	s2 =	sld [smem:$0x3FD0];
	(tm) =	ssettm $0x1  }
0x91: {  	s18 =	sld [smem:$0x3FFB];
	_ =	sdelay $0x3  }
0x92: {  	_ =	strace s18  }
0x93: {  	s3 =	sld [smem:$0x3FFC];
	_ =	sdelay $0x3  }
0x94: {  	_ =	strace s3  }
0x95: {  	s3 =	sld [smem:$0x3FFD];
	_ =	sdelay $0x3  }
0x96: {  	_ =	strace s3  }
0x97: {  	_ =	strace $0x8FFFFFFF  }
0x98: {  	s19 =	sld [smem:$0x3FDB];
	_ =	sdelay $0x1  }
0x99: {  	s4 =	simm.s32 $_scs_section_size  }
0x9a: {  	s5 =	simm.s32 $_size__tile_overlayer_lowered;
	s6 =	simm.s32 $_tile_overlayer_lowered  }
0x9b: {  	s22 =	simm.s32 $0x1BFF;
	s21 =	sshll.u32 s6, $0x1;
	s3 =	sadd.s32 s4, s19  }
0x9c: {  	s7 =	simm.s32 $0x0;
	s20 =	sshll.u32 s5, $0x1;
	s5 =	sadd.s32 s21, s3  }
0x9d: {  	[timem:s7], [sflag:s22] =	dma.local [hbm:s5], s20  }
0x9e: {  	_ =	swait.ge [sflag:s22], s20  }
0x9f: {  	s4 =	ssub.s32 $0x0, s20;
	[sflag:s22] =	ssyncset.done $0x0  }
0xa0: {  	[sflag:s22] =	ssyncadd.s32 s4;
	_ =	sdelay $0x1  }
0xa1: {  	s23 =	simm.s32 $0x1B8B  }
0xa2: {  	_ =	swait.ge [sflag:s23], $0x1  }
0xa3: {  	[sflag:s23] =	ssyncset.done $0x0  }
0xa4: {  	s25 =	simm.s32 $0x1B8E;
	s24 =	sld [smem:$0x3FFE];
	[sflag:s23] =	ssyncadd.s32 $0xFFFFFFFF  }
0xa5: {  	s26 =	simm.s32 $execute0_lowered;
	[smem:$0x3FD2] =	sst s25  }
0xa6: {  	s5 =	sshll.u32 s26, $0x1;
	_ =	strace $0x80000049;
	[dreg:$0x1] =	wrdreg $0xFFFFFFFF  }
0xa7: {  	s28 =	simm.s32 $_size_execute0_lowered;
	s3 =	sadd.s32 s3, s5;
	[dreg:$0x0] =	wrdreg $0x0  }
0xa8: {  	s5 =	sshll.u32 s28, $0x1;
	[dreg:$0x2] =	wrdreg s3  }
0xa9: {  	[dreg:$0x3] =	wrdreg s5  }
0xaa: {  	[dreg:$0x4] =	wrdreg $0xC0  }
0xab: {  	_ =	task [dreg:s7], $0x5FFFF  }
0xac: {  	[dreg:$0x1] =	wrdreg $0xFFFFFFFF  }
0xad: {  	[dreg:$0x0] =	wrdreg $0x60  }
0xae: {  	[dreg:$0x2] =	wrdreg s24  }
0xaf: {  	[dreg:$0x3] =	wrdreg s2  }
0xb0: {  	[dreg:$0x4] =	wrdreg $0x90000  }
0xb1: {  	[dreg:$0x5] =	wrdreg $0x9  }
0xb2: {  	_ =	task.clear_ibuf [dreg:s7], $0x6FFFF;
	_ =	strace $0x90000049  }
0xb3: {  	s29 =	simm.s32 $0x9;
	_ =	strace $0x8000004B  }
0xb4: {  	_ =	swait.ge [sflag:s29], $0x1  }
0xb5: {  	[sflag:s29] =	ssyncadd.s32 $0xFFFFFFFF  }
0xb6: {  	_ =	strace $0x9000004B  }
0xb7: {  	_ =	sfence  }
0xb8: {  	s30 =	sld [smem:$0x0];
	_ =	sdelay $0x2  }
0xb9: {  	s31 =	sshll.u32 s1, $0xD;
	s1 =	sshrl.u32 s1, $0x2  }
0xba: {  	s3 =	sand.u32 $0x4000, s31;
	s1 =	sadd.s32 s1, s30  }
0xbb: {  	s0 =	sor.u32 s3, s0;
	s1 =	sshll.u32 s1, $0x11  }
0xbc: {  	s0 =	sor.u32 s1, s0  }
0xbd: {  	s0 =	sadd.s32 $0x8F2B, s0  }
0xbe: {  	[sflag:s0] =	ssyncadd.remote.s32 $0x1  }
0xbf: {  	_ =	sfence.sel $0xFFFF  }
0xc0: {  	[dreg:$0x0] =	wrdreg $0xFFFFFFFF;
	(pc) =	sbr.abs _section_cstart, $3  }
0xc1: {  	[dreg:$0x1] =	wrdreg $0xFFFFFFFF  }
0xc2: {  	_ =	task.clear_ibuf [dreg:s7], $0x2FFFF;
	_ =	strace $0x9FFFFFFF  }
0xc3: {  	(tm) =	ssettm $0x7FFFFFFF  }
tec
execute0_lowered:
.L_overlay_start_1:
0x0: {  	(tag) =	ssettag $0x1  }
0x1: {  	s5 =	rddreg [dreg:$0x0]  }
0x2: {  	s1 =	rddreg [dreg:$0x1]  }
0x3: {  	s3 =	rddreg [dreg:$0x2]  }
0x4: {  	s2 =	srdreg.scid;
	s0 =	rddreg [dreg:$0x3]  }
0x5: {  	s4 =	simm.s32 $0x0;
	s14 =	simm.s32 $0x5000;
	s15 =	simm.s32 $0x2  }
0x6: {  	s16 =	simm.s32 $0x2800;
	s17 =	simm.s32 $0x80;
	s6 =	sand.u32 $0x1, s2  }
0x7: {  	s18 =	simm.s32 $0x1;
	s2 =	stileid.u32;
	s8 =	smul.u32 $0x140000, s6  }
0x8: {  	[smem:$0x7FF] =	sst s4;
	s7 =	sshll.u32 s6, $0x4;
	s9 =	smul.u32 $0x14000, s2  }
0x9: {  	_ =	strace $0x8000004A;
	s30 =	smul.u32 $0x50000, s2;
	s6 =	ssub.s32 $0x2, s6  }
0xa: {  	s19 =	sshll.u32 s2, $0x6;
	s7 =	sor.u32 s2, s7;
	s31 =	sshrl.u32 s6, $0x1  }
0xb: {  	s19 =	sor.u32 $0x1C02, s19;
	s7 =	smul.u32 $0x500, s7;
	s8 =	sadd.s32 s9, s8  }
0xc: {  	s9 =	sshrl.u32 s30, $0x2;
	s10 =	ssub.s32 s6, s31;
	s8 =	sshrl.u32 s8, $0x3  }
0xd: {  	s7 =	sadd.s32 s7, s5;
	s8 =	sadd.s32 s8, s5;
	s5 =	sadd.s32 s9, s3  }
0xe: {  	s9 =	smax.u32 s10, $0x1;
	s6 =	sadd.s32 $0x33400, s7;
	s7 =	sadd.s32 $0x29400, s7  }
0xf: {  	s8 =	sadd.s32 $0x3D400, s8;
	s10 =	sadd.s32 $0x4000, s5;
	s11 =	sadd.s32 $0x8000, s5  }
0x10: {  	v0 =	vimm.f32 $0.0e+00;
	s12 =	sadd.s32 $0xC000, s5;
	s13 =	sadd.s32 $0x10000, s5;
	s20 =	sshrl.u32 s5, $0x3  }
.LBB2_1:
0x11: {  	s21 =	simm.s32 $0x0;
	s22 =	simm.s32 $0x200  }
.LBB2_2:
0x12: {  	p0 =	sne.s32 s22, $0xFE00;
	[tilespmem:s21+$0x5070] =	vst v0  }
0x13: {  	[tilespmem:s21+$0x5000] =	vst v0  }
0x14: {  	[tilespmem:s21+$0x5010] =	vst v0  }
.Ltmp0:
0x15: {  	[tilespmem:s21+$0x5020] =	vst v0;
	(pc) =	sbr.rel @p0 .LBB2_2-.Ltmp0, $4  }
0x16: {  	[tilespmem:s21+$0x5030] =	vst v0  }
0x17: {  	[tilespmem:s21+$0x5040] =	vst v0  }
0x18: {  	[tilespmem:s21+$0x5050] =	vst v0  }
0x19: {  	[tilespmem:s21+$0x5060] =	vst v0;
	s21 =	sshra.s32 s22, $0x2;
	s22 =	sadd.s32 $0x200, s22  }
0x1a: {  	[tilespmem:s21+$0x5070] =	vst v0  }
0x1b: {  	[tilespmem:s21+$0x5000] =	vst v0  }
0x1c: {  	[tilespmem:s21+$0x5010] =	vst v0  }
0x1d: {  	[tilespmem:s21+$0x5020] =	vst v0  }
0x1e: {  	[tilespmem:s21+$0x5030] =	vst v0  }
0x1f: {  	[tilespmem:s21+$0x5040] =	vst v0  }
0x20: {  	[tilespmem:s21+$0x5050] =	vst v0  }
0x21: {  	[tilespmem:s21+$0x5060] =	vst v0  }
0x22: {  	[spmem:s5] =	stream.linear.scatter [tilespmem:s14], [sflag:$0x2], $0x4000, $0x38;
	[tilespmem:$0x1D000] =	vst v63  }
0x23: {  	_ =	swait.ge [sflag:s15], $0x4000  }
0x24: {  	[sflag:s15] =	ssyncset.done $0x0  }
0x25: {  	[sflag:s15] =	ssyncadd.s32 $0xFFFFC000  }
0x26: {  	[spmem:s10] =	stream.linear.scatter [tilespmem:s14], [sflag:$0x2], $0x4000, $0x38;
	[tilespmem:$0x1D000] =	vst v63  }
0x27: {  	_ =	swait.ge [sflag:s15], $0x4000  }
0x28: {  	[sflag:s15] =	ssyncset.done $0x0  }
0x29: {  	[sflag:s15] =	ssyncadd.s32 $0xFFFFC000  }
0x2a: {  	[spmem:s11] =	stream.linear.scatter [tilespmem:s14], [sflag:$0x2], $0x4000, $0x38;
	[tilespmem:$0x1D000] =	vst v63  }
0x2b: {  	_ =	swait.ge [sflag:s15], $0x4000  }
0x2c: {  	[sflag:s15] =	ssyncset.done $0x0  }
0x2d: {  	[sflag:s15] =	ssyncadd.s32 $0xFFFFC000  }
0x2e: {  	[spmem:s12] =	stream.linear.scatter [tilespmem:s14], [sflag:$0x2], $0x4000, $0x38;
	[tilespmem:$0x1D000] =	vst v63  }
0x2f: {  	_ =	swait.ge [sflag:s15], $0x4000  }
0x30: {  	[sflag:s15] =	ssyncset.done $0x0  }
0x31: {  	[sflag:s15] =	ssyncadd.s32 $0xFFFFC000  }
0x32: {  	[spmem:s13] =	stream.linear.scatter [tilespmem:s14], [sflag:$0x2], $0x4000, $0x38;
	[tilespmem:$0x1D000] =	vst v63  }
0x33: {  	_ =	swait.ge [sflag:s15], $0x4000  }
0x34: {  	[sflag:s15] =	ssyncset.done $0x0  }
0x35: {  	s29 =	simm.s32 $0x0;
	[sflag:s15] =	ssyncadd.s32 $0xFFFFC000  }
0x36: {  	[tilespmem:s29], [sflag:$0x2] =	stream.linear.gather [hbm4b:s6+s29], $0x2800, $0x38;
	[tilespmem:$0x1D000] =	vst v63  }
0x37: {  	_ =	swait.ge [sflag:s15], $0x2800  }
0x38: {  	[sflag:s15] =	ssyncset.done $0x0  }
0x39: {  	[sflag:s15] =	ssyncadd.s32 $0xFFFFD800  }
0x3a: {  	[tilespmem:s16], [sflag:$0x2] =	stream.linear.gather [hbm4b:s7+s29], $0x2800, $0x38;
	[tilespmem:$0x1D000] =	vst v63  }
0x3b: {  	_ =	swait.ge [sflag:s15], $0x2800  }
0x3c: {  	[sflag:s15] =	ssyncset.done $0x0  }
0x3d: {  	[sflag:s15] =	ssyncadd.s32 $0xFFFFD800  }
0x3e: {  	s30 =	simm.s32 $0x0;
	[bflag:$0x0] =	sbarrier.arrive $0xFFFF  }
0x3f: {  	[tilespmem:s14], [sflag:$0x1] =	stream.indirect.gather [hbm4b:s1+s17], $0x80, s30, s17, $0xb8;
	[tilespmem:$0x1D000] =	vst v63  }
0x40: {  	_ =	swait.ge [sflag:s18], $0x4000  }
0x41: {  	[sflag:s18] =	ssyncset.done $0x0  }
0x42: {  	s31 =	simm.s32 $0x2800;
	[sflag:s18] =	ssyncadd.s32 $0xFFFFC000  }
0x43: {  	[spmem:s3] =	stream.indirect.scatter.add.f32 [tilespmem:s14], [sflag:$0x2], $0x80, s31, s17, $0xb8;
	[tilespmem:$0x1D000] =	vst v63  }
0x44: {  	_ =	swait.ge [sflag:s15], $0x4000  }
0x45: {  	s21 =	simm.s32 $0x200;
	s22 =	simm.s32 $0x400;
	[sflag:s15] =	ssyncset.done $0x0  }
.LBB2_4:
0x46: {  	s23 =	sshra.s32 s21, $0x2  }
0x47: {  	[sflag:s15] =	ssyncadd.s32 $0xFFFFC000;
	s21 =	smov.u32 s22;
	s24 =	sadd.s32 $0x200, s22  }
0x48: {  	[tilespmem:s14], [sflag:$0x1] =	stream.indirect.gather [hbm4b:s1+s17], $0x80, s23, s17, $0xb8;
	[tilespmem:$0x1D000] =	vst v63  }
0x49: {  	p0 =	sne.s32 s22, $0x9E00;
	_ =	swait.ge [sflag:s18], $0x4000  }
.Ltmp1:
0x4a: {  	[sflag:s18] =	ssyncset.done $0x0;
	(pc) =	sbr.rel @p0 .LBB2_4-.Ltmp1, $4  }
0x4b: {  	s22 =	sadd.s32 $0x2800, s23;
	[sflag:s18] =	ssyncadd.s32 $0xFFFFC000  }
0x4c: {  	[spmem:s3] =	stream.indirect.scatter.add.f32 [tilespmem:s14], [sflag:$0x2], $0x80, s22, s17, $0xb8;
	[tilespmem:$0x1D000] =	vst v63  }
0x4d: {  	_ =	swait.ge [sflag:s15], $0x4000  }
0x4e: {  	s22 =	smov.u32 s24;
	[sflag:s15] =	ssyncset.done $0x0  }
0x4f: {  	s21 =	sshra.s32 s21, $0x2;
	[sflag:s15] =	ssyncadd.s32 $0xFFFFC000  }
0x50: {  	[tilespmem:s14], [sflag:$0x1] =	stream.indirect.gather [hbm4b:s1+s17], $0x80, s21, s17, $0xb8;
	[tilespmem:$0x1D000] =	vst v63  }
0x51: {  	_ =	swait.ge [sflag:s18], $0x4000  }
0x52: {  	[sflag:s18] =	ssyncset.done $0x0  }
0x53: {  	s21 =	sadd.s32 $0x2800, s21;
	[sflag:s18] =	ssyncadd.s32 $0xFFFFC000  }
0x54: {  	[spmem:s3] =	stream.indirect.scatter.add.f32 [tilespmem:s14], [sflag:$0x2], $0x80, s21, s17, $0xb8;
	[tilespmem:$0x1D000] =	vst v63  }
0x55: {  	_ =	swait.ge [sflag:s15], $0x4000  }
0x56: {  	s4 =	sadd.s32 $0x1, s4;
	[sflag:s15] =	ssyncset.done $0x0  }
0x57: {  	p0 =	sne.s32 s4, s9;
	[sflag:s15] =	ssyncadd.s32 $0xFFFFC000  }
.Ltmp2:
0x58: {  	[bflag:$0x0] =	sbarrier.arrive $0xFFFF;
	(pc) =	sbr.rel @p0 .LBB2_1-.Ltmp2, $4  }
0x59: {  	[hbm:s8], [sflag:s19] =	dma.local [spmem:s20], $0x2800  }
0x5a: {  	_ =	swait.ge [sflag:s15], $0x2800  }
0x5b: {  	[sflag:s15] =	ssyncset.done $0x0  }
0x5c: {  	[sflag:s15] =	ssyncadd.s32 $0xFFFFD800  }
0x5d: {  	_ =	sfence.sel $0x180000  }
0x5e: {  	[bflag:$0x0] =	sbarrier.arrive $0xFFFF  }
0x5f: {  	p0 =	sne.s32 s2, $0x0;
	_ =	strace $0x9000004A  }
0x60: {  	s0 =	sadd.s32 @!p0 $0x100000, s0;
	[bflag:$0x2] =	sbarrier.arrive $0xFFFF  }
0x61: {  	[sflag:s0] =	ssyncadd.tile.s32 @!p0 $0x1;
	_ =	shalt  }
.Lfunc_end2:
_tile_overlayer_lowered:
.L_overlay_start_2:
0x62: {  	(tag) =	ssettag $0x2  }
0x63: {  	s0 =	rddreg [dreg:$0x0];
	s2 =	stileid.u32  }
0x64: {  	s1 =	rddreg [dreg:$0x1];
	p0 =	sne.s32 s2, $0x0  }
0x65: {  	s3 =	rddreg [dreg:$0x2];
	[bflag:$0x3] =	sbarrier.arrive $0xFFFF;
	s2 =	simm.s32 @!p0 $0x1C02  }
0x66: {  	[timem:s3], [sflag:s2] =	dma.local @!p0 [hbm:s0], s1  }
0x67: {  	s0 =	simm.s32 @!p0 $0x2  }
0x68: {  	_ =	swait.ge @!p0 [sflag:s0], s1  }
0x69: {  	s1 =	ssub.s32 @!p0 $0x0, s1;
	[sflag:s0] =	ssyncset.done @!p0 $0x0  }
0x6a: {  	[sflag:s0] =	ssyncadd.s32 @!p0 s1  }
0x6b: {  	[bflag:$0x3] =	sbarrier.arrive $0xFFFF  }
0x6c: {  	_ =	shalt  }

</sc_bundles>
